<compile_context>
chip_gen: v7x
topology: tpu7x:2x2x1
jax: 0.10.2.dev20260603
libtpu: 0.0.44.dev20260713+nightly
codegen_flags: <defaults>
</compile_context>

<pallas_src>
import functools

import jax
import jax.numpy as jnp
from jax import lax
from jax.experimental import pallas as pl
from jax.experimental.pallas import tpu as pltpu
from jax.experimental.pallas import tpu_sc as plsc

_N = 2 * 8192 * 2048
_NW = 32
_PER_W = _N // _NW
_CH = 32768
_NCH = _PER_W // _CH


def _sc_body(x_hbm, v_hbm, out_hbm, buf0, buf1, vbuf, rs0, rs1, ws0, ws1):
    wid = lax.axis_index("s") * 2 + lax.axis_index("c")
    base = wid * _PER_W

    pltpu.sync_copy(v_hbm, vbuf)
    inv = 1.0 / vbuf[...]

    bufs = (buf0, buf1)
    rsems = (rs0, rs1)
    wsems = (ws0, ws1)

    reads = [None] * _NCH
    writes = [None] * _NCH
    reads[0] = pltpu.async_copy(x_hbm.at[pl.ds(base, _CH)], bufs[0], rsems[0])
    for g in range(_NCH):
        cur = bufs[g % 2]
        if g + 1 < _NCH:
            if g - 1 >= 0:
                writes[g - 1].wait()
            reads[g + 1] = pltpu.async_copy(
                x_hbm.at[pl.ds(base + (g + 1) * _CH, _CH)],
                bufs[(g + 1) % 2], rsems[(g + 1) % 2])
        reads[g].wait()

        def _mul(i, _, cur=cur, inv=inv):
            off = i * 16
            cur[pl.ds(off, 16)] = cur[pl.ds(off, 16)] * inv
            return 0

        lax.fori_loop(0, _CH // 16, _mul, 0)
        writes[g] = pltpu.async_copy(
            cur, out_hbm.at[pl.ds(base + g * _CH, _CH)], wsems[g % 2])
    writes[_NCH - 2].wait()
    writes[_NCH - 1].wait()


@functools.partial(jax.jit, static_argnames=())
def _scale_sc(xf, vf):
    mesh = plsc.VectorSubcoreMesh(core_axis_name="c", subcore_axis_name="s")
    f = pl.kernel(
        _sc_body,
        mesh=mesh,
        out_type=jax.ShapeDtypeStruct((_N,), jnp.float32),
        scratch_types=[
            pltpu.VMEM((_CH,), jnp.float32),
            pltpu.VMEM((_CH,), jnp.float32),
            pltpu.VMEM((16,), jnp.float32),
            pltpu.SemaphoreType.DMA,
            pltpu.SemaphoreType.DMA,
            pltpu.SemaphoreType.DMA,
            pltpu.SemaphoreType.DMA,
        ],
    )
    return f(xf, vf)


def kernel(x, value):
    b, s, d = x.shape
    xf = x.reshape(_N)
    vf = jnp.broadcast_to(value, (16,))
    out = _scale_sc(xf, vf)
    return out.reshape(b, s, d)



def _scale_body_tc(v_ref, x_ref, o_ref):
    o_ref[...] = x_ref[...] * (1.0 / v_ref[0, 0])


def _kernel_tc(x, value):
    b, s, d = x.shape
    rows = b * s
    xf = x.reshape(rows, d)
    vf = value.reshape(1, 1)

    blk = 1024
    grid = rows // blk

    out = pl.pallas_call(
        _scale_body_tc,
        grid=(grid,),
        in_specs=[
            pl.BlockSpec((1, 1), lambda i: (0, 0)),
            pl.BlockSpec((blk, d), lambda i: (i, 0)),
        ],
        out_specs=pl.BlockSpec((blk, d), lambda i: (i, 0)),
        out_shape=jax.ShapeDtypeStruct((rows, d), x.dtype),
    )(vf, xf)
    return out.reshape(b, s, d)

# --- scband reference (transcript-rebuilt; emitter-appended) ---
"""Pipeline reference for scband-running-scale-85435489452465 (READ-ONLY COPY).

The authoritative reference and input builder live on the scoring server;
editing this copy changes nothing except your own understanding.
"""

import jax, jax.numpy as jnp
import numpy as np


def setup_inputs(seed: int = 0) -> dict:
    key = jax.random.key(seed)
    x = jax.random.normal(key, (2, 8192, 2048), dtype=jnp.float32)
    # learned/tracked state per __init__: _value = jnp.ones(1)
    value = jnp.ones((1,), dtype=jnp.float32)
    return {"x": x, "value": value}


def reference(x, value):
    # RunningScale.__call__(x, update=False): x * (1 / self.value)
    return x * (1.0 / value)

if __name__ == "__main__":
    import jax
    _d = setup_inputs()
    print(jax.jit(kernel)(*tuple(_d.values())))

</pallas_src>

<mosaic_0001>
#map = affine_map<(d0, d1) -> (0)>
module attributes {stable_mosaic.version = 14 : i64} {
  func.func @_sc_body(%arg0: i32, %arg1: i32, %arg2: memref<33554432xf32, #tpu.memory_space<hbm>>, %arg3: memref<16xf32, #tpu.memory_space<hbm>>, %arg4: memref<33554432xf32, #tpu.memory_space<hbm>>, %arg5: memref<32768xf32, #tpu.memory_space<vmem>>, %arg6: memref<32768xf32, #tpu.memory_space<vmem>>, %arg7: memref<16xf32, #tpu.memory_space<vmem>>, %arg8: memref<!tpu.dma_semaphore, #tpu.memory_space<semaphore_mem>>, %arg9: memref<!tpu.dma_semaphore, #tpu.memory_space<semaphore_mem>>, %arg10: memref<!tpu.dma_semaphore, #tpu.memory_space<semaphore_mem>>, %arg11: memref<!tpu.dma_semaphore, #tpu.memory_space<semaphore_mem>>) attributes {dimension_semantics = [#tpu.dimension_semantics<core_parallel>, #tpu.dimension_semantics<subcore_parallel>], iteration_bounds = array<i64: 2, 16>, scalar_prefetch = 0 : i64, scratch_operands = 7 : i64, tpu.core_type = #tpu.core_type<sc_vector_subcore>, window_params = [{transform_indices = #map}, {transform_indices = #map}, {transform_indices = #map}]} {
    %mul3A = arith.constant 2 : i32
    %mul3A_0 = arith.muli %arg1, %mul3A : i32
    %add3A = arith.addi %mul3A_0, %arg0 : i32
    %mul3A_1 = arith.constant 1048576 : i32
    %mul3A_2 = arith.muli %add3A, %mul3A_1 : i32
    "tpu.region"() ({
      %run_scoped3A = tpu.sem_alloc : memref<!tpu.dma_semaphore, #tpu.memory_space<semaphore_mem>>
      tpu.enqueue_dma source(%arg3 : memref<16xf32, #tpu.memory_space<hbm>>) target(%arg7 : memref<16xf32, #tpu.memory_space<vmem>>) target_semaphore(%run_scoped3A : memref<!tpu.dma_semaphore, #tpu.memory_space<semaphore_mem>>)
      tpu.wait_dma2 semaphore(%run_scoped3A : memref<!tpu.dma_semaphore, #tpu.memory_space<semaphore_mem>>) src(%arg3 : memref<16xf32, #tpu.memory_space<hbm>>) dst(%arg7 : memref<16xf32, #tpu.memory_space<vmem>>)
      tpu.yield
    }) : () -> ()
    %get3A = arith.constant 0 : index
    %get3A_3 = tpu.vector_load %arg7[%get3A] {strides = array<i32>} : memref<16xf32, #tpu.memory_space<vmem>>, vector<16xf32>,
    %get3A_4 = vector.shape_cast %get3A_3 : vector<16xf32> to vector<16xf32>
    %div3A = arith.constant 1.000000e+00 : f32
    %div3A_5 = vector.broadcast %div3A : f32 to vector<16xf32>
    %div3A_6 = arith.divf %div3A_5, %get3A_4 : vector<16xf32>
    %dma_start3A = tpu.memref_slice %arg2[%mul3A_2] : memref<33554432xf32, #tpu.memory_space<hbm>> -> memref<32768xf32, #tpu.memory_space<hbm>>
    %dma_start3A_7 = tpu.memref_slice %arg2[%mul3A_2] : memref<33554432xf32, #tpu.memory_space<hbm>> -> memref<32768xf32, #tpu.memory_space<hbm>>
    tpu.enqueue_dma source(%dma_start3A_7 : memref<32768xf32, #tpu.memory_space<hbm>>) target(%arg5 : memref<32768xf32, #tpu.memory_space<vmem>>) target_semaphore(%arg8 : memref<!tpu.dma_semaphore, #tpu.memory_space<semaphore_mem>>)
    %add3A_8 = arith.constant 32768 : i32
    %add3A_9 = arith.addi %mul3A_2, %add3A_8 : i32
    %dma_start3A_10 = tpu.memref_slice %arg2[%add3A_9] : memref<33554432xf32, #tpu.memory_space<hbm>> -> memref<32768xf32, #tpu.memory_space<hbm>>
    %dma_start3A_11 = tpu.memref_slice %arg2[%add3A_9] : memref<33554432xf32, #tpu.memory_space<hbm>> -> memref<32768xf32, #tpu.memory_space<hbm>>
    tpu.enqueue_dma source(%dma_start3A_11 : memref<32768xf32, #tpu.memory_space<hbm>>) target(%arg6 : memref<32768xf32, #tpu.memory_space<vmem>>) target_semaphore(%arg9 : memref<!tpu.dma_semaphore, #tpu.memory_space<semaphore_mem>>)
    %dma_wait3A = tpu.memref_slice %arg2[%mul3A_2] : memref<33554432xf32, #tpu.memory_space<hbm>> -> memref<32768xf32, #tpu.memory_space<hbm>>
    %dma_wait3A_12 = tpu.memref_slice %arg2[%mul3A_2] : memref<33554432xf32, #tpu.memory_space<hbm>> -> memref<32768xf32, #tpu.memory_space<hbm>>
    tpu.wait_dma2 semaphore(%arg8 : memref<!tpu.dma_semaphore, #tpu.memory_space<semaphore_mem>>) src(%dma_wait3A_12 : memref<32768xf32, #tpu.memory_space<hbm>>) dst(%arg5 : memref<32768xf32, #tpu.memory_space<vmem>>)
    %scan3A = arith.constant 0 : i32
    %scan3A_13 = arith.constant 0 : i32
    %scan3A_14 = arith.constant 2048 : i32
    %scan3A_15 = arith.addi %scan3A_13, %scan3A_14 : i32
    %scan3A_16 = arith.constant 1 : i32
    %scan3A_17 = scf.for %scan3A_610 = %scan3A_13 to %scan3A_15 step %scan3A_16 iter_args(%scan3A_611 = %scan3A) -> (i32)  : i32 {
      %mul3A_612 = arith.constant 16 : i32
      %mul3A_613 = arith.muli %scan3A_610, %mul3A_612 : i32
      %get3A_614 = arith.index_cast %mul3A_613 : i32 to index
      %get3A_615 = tpu.vector_load %arg5[%get3A_614] {strides = array<i32>} : memref<32768xf32, #tpu.memory_space<vmem>>, vector<16xf32>,
      %get3A_616 = vector.shape_cast %get3A_615 : vector<16xf32> to vector<16xf32>
      %mul3A_617 = arith.mulf %get3A_616, %div3A_6 : vector<16xf32>
      %swap3A = arith.index_cast %mul3A_613 : i32 to index
      %swap3A_618 = tpu.vector_load %arg5[%swap3A] {strides = array<i32>} : memref<32768xf32, #tpu.memory_space<vmem>>, vector<16xf32>,
      %swap3A_619 = vector.shape_cast %swap3A_618 : vector<16xf32> to vector<16xf32>
      %swap3A_620 = vector.shape_cast %mul3A_617 : vector<16xf32> to vector<16xf32>
      tpu.vector_store %arg5[%swap3A], %swap3A_620 {strides = array<i32>} : memref<32768xf32, #tpu.memory_space<vmem>>, vector<16xf32>,
      %scan3A_621 = arith.constant 0 : i32
      scf.yield %scan3A_621 : i32
    }
    %scan3A_18 = arith.constant 2048 : i32
    %add3A_19 = arith.constant 0 : i32
    %add3A_20 = arith.addi %mul3A_2, %add3A_19 : i32
    %dma_start3A_21 = tpu.memref_slice %arg4[%add3A_20] : memref<33554432xf32, #tpu.memory_space<hbm>> -> memref<32768xf32, #tpu.memory_space<hbm>>
    %dma_start3A_22 = tpu.memref_slice %arg4[%add3A_20] : memref<33554432xf32, #tpu.memory_space<hbm>> -> memref<32768xf32, #tpu.memory_space<hbm>>
    tpu.enqueue_dma source(%arg5 : memref<32768xf32, #tpu.memory_space<vmem>>) target(%dma_start3A_22 : memref<32768xf32, #tpu.memory_space<hbm>>) target_semaphore(%arg10 : memref<!tpu.dma_semaphore, #tpu.memory_space<semaphore_mem>>)
    %dma_wait3A_23 = tpu.memref_slice %arg4[%add3A_20] : memref<33554432xf32, #tpu.memory_space<hbm>> -> memref<32768xf32, #tpu.memory_space<hbm>>
    %dma_wait3A_24 = tpu.memref_slice %arg4[%add3A_20] : memref<33554432xf32, #tpu.memory_space<hbm>> -> memref<32768xf32, #tpu.memory_space<hbm>>
    tpu.wait_dma2 semaphore(%arg10 : memref<!tpu.dma_semaphore, #tpu.memory_space<semaphore_mem>>) src(%arg5 : memref<32768xf32, #tpu.memory_space<vmem>>) dst(%dma_wait3A_24 : memref<32768xf32, #tpu.memory_space<hbm>>)
    %add3A_25 = arith.constant 65536 : i32
    %add3A_26 = arith.addi %mul3A_2, %add3A_25 : i32
    %dma_start3A_27 = tpu.memref_slice %arg2[%add3A_26] : memref<33554432xf32, #tpu.memory_space<hbm>> -> memref<32768xf32, #tpu.memory_space<hbm>>
    %dma_start3A_28 = tpu.memref_slice %arg2[%add3A_26] : memref<33554432xf32, #tpu.memory_space<hbm>> -> memref<32768xf32, #tpu.memory_space<hbm>>
    tpu.enqueue_dma source(%dma_start3A_28 : memref<32768xf32, #tpu.memory_space<hbm>>) target(%arg5 : memref<32768xf32, #tpu.memory_space<vmem>>) target_semaphore(%arg8 : memref<!tpu.dma_semaphore, #tpu.memory_space<semaphore_mem>>)
    %dma_wait3A_29 = tpu.memref_slice %arg2[%add3A_9] : memref<33554432xf32, #tpu.memory_space<hbm>> -> memref<32768xf32, #tpu.memory_space<hbm>>
    %dma_wait3A_30 = tpu.memref_slice %arg2[%add3A_9] : memref<33554432xf32, #tpu.memory_space<hbm>> -> memref<32768xf32, #tpu.memory_space<hbm>>
    tpu.wait_dma2 semaphore(%arg9 : memref<!tpu.dma_semaphore, #tpu.memory_space<semaphore_mem>>) src(%dma_wait3A_30 : memref<32768xf32, #tpu.memory_space<hbm>>) dst(%arg6 : memref<32768xf32, #tpu.memory_space<vmem>>)
    %scan3A_31 = arith.constant 0 : i32
    %scan3A_32 = arith.constant 0 : i32
    %scan3A_33 = arith.constant 2048 : i32
    %scan3A_34 = arith.addi %scan3A_32, %scan3A_33 : i32
    %scan3A_35 = arith.constant 1 : i32
    %scan3A_36 = scf.for %scan3A_610 = %scan3A_32 to %scan3A_34 step %scan3A_35 iter_args(%scan3A_611 = %scan3A_31) -> (i32)  : i32 {
      %mul3A_612 = arith.constant 16 : i32
      %mul3A_613 = arith.muli %scan3A_610, %mul3A_612 : i32
      %get3A_614 = arith.index_cast %mul3A_613 : i32 to index
      %get3A_615 = tpu.vector_load %arg6[%get3A_614] {strides = array<i32>} : memref<32768xf32, #tpu.memory_space<vmem>>, vector<16xf32>,
      %get3A_616 = vector.shape_cast %get3A_615 : vector<16xf32> to vector<16xf32>
      %mul3A_617 = arith.mulf %get3A_616, %div3A_6 : vector<16xf32>
      %swap3A = arith.index_cast %mul3A_613 : i32 to index
      %swap3A_618 = tpu.vector_load %arg6[%swap3A] {strides = array<i32>} : memref<32768xf32, #tpu.memory_space<vmem>>, vector<16xf32>,
      %swap3A_619 = vector.shape_cast %swap3A_618 : vector<16xf32> to vector<16xf32>
      %swap3A_620 = vector.shape_cast %mul3A_617 : vector<16xf32> to vector<16xf32>
      tpu.vector_store %arg6[%swap3A], %swap3A_620 {strides = array<i32>} : memref<32768xf32, #tpu.memory_space<vmem>>, vector<16xf32>,
      %scan3A_621 = arith.constant 0 : i32
      scf.yield %scan3A_621 : i32
    }
    %scan3A_37 = arith.constant 2048 : i32
    %add3A_38 = arith.constant 32768 : i32
    %add3A_39 = arith.addi %mul3A_2, %add3A_38 : i32
    %dma_start3A_40 = tpu.memref_slice %arg4[%add3A_39] : memref<33554432xf32, #tpu.memory_space<hbm>> -> memref<32768xf32, #tpu.memory_space<hbm>>
    %dma_start3A_41 = tpu.memref_slice %arg4[%add3A_39] : memref<33554432xf32, #tpu.memory_space<hbm>> -> memref<32768xf32, #tpu.memory_space<hbm>>
    tpu.enqueue_dma source(%arg6 : memref<32768xf32, #tpu.memory_space<vmem>>) target(%dma_start3A_41 : memref<32768xf32, #tpu.memory_space<hbm>>) target_semaphore(%arg11 : memref<!tpu.dma_semaphore, #tpu.memory_space<semaphore_mem>>)
    %dma_wait3A_42 = tpu.memref_slice %arg4[%add3A_39] : memref<33554432xf32, #tpu.memory_space<hbm>> -> memref<32768xf32, #tpu.memory_space<hbm>>
    %dma_wait3A_43 = tpu.memref_slice %arg4[%add3A_39] : memref<33554432xf32, #tpu.memory_space<hbm>> -> memref<32768xf32, #tpu.memory_space<hbm>>
    tpu.wait_dma2 semaphore(%arg11 : memref<!tpu.dma_semaphore, #tpu.memory_space<semaphore_mem>>) src(%arg6 : memref<32768xf32, #tpu.memory_space<vmem>>) dst(%dma_wait3A_43 : memref<32768xf32, #tpu.memory_space<hbm>>)
    %add3A_44 = arith.constant 98304 : i32
    %add3A_45 = arith.addi %mul3A_2, %add3A_44 : i32
    %dma_start3A_46 = tpu.memref_slice %arg2[%add3A_45] : memref<33554432xf32, #tpu.memory_space<hbm>> -> memref<32768xf32, #tpu.memory_space<hbm>>
    %dma_start3A_47 = tpu.memref_slice %arg2[%add3A_45] : memref<33554432xf32, #tpu.memory_space<hbm>> -> memref<32768xf32, #tpu.memory_space<hbm>>
    tpu.enqueue_dma source(%dma_start3A_47 : memref<32768xf32, #tpu.memory_space<hbm>>) target(%arg6 : memref<32768xf32, #tpu.memory_space<vmem>>) target_semaphore(%arg9 : memref<!tpu.dma_semaphore, #tpu.memory_space<semaphore_mem>>)
    %dma_wait3A_48 = tpu.memref_slice %arg2[%add3A_26] : memref<33554432xf32, #tpu.memory_space<hbm>> -> memref<32768xf32, #tpu.memory_space<hbm>>
    %dma_wait3A_49 = tpu.memref_slice %arg2[%add3A_26] : memref<33554432xf32, #tpu.memory_space<hbm>> -> memref<32768xf32, #tpu.memory_space<hbm>>
    tpu.wait_dma2 semaphore(%arg8 : memref<!tpu.dma_semaphore, #tpu.memory_space<semaphore_mem>>) src(%dma_wait3A_49 : memref<32768xf32, #tpu.memory_space<hbm>>) dst(%arg5 : memref<32768xf32, #tpu.memory_space<vmem>>)
    %scan3A_50 = arith.constant 0 : i32
    %scan3A_51 = arith.constant 0 : i32
    %scan3A_52 = arith.constant 2048 : i32
    %scan3A_53 = arith.addi %scan3A_51, %scan3A_52 : i32
    %scan3A_54 = arith.constant 1 : i32
    %scan3A_55 = scf.for %scan3A_610 = %scan3A_51 to %scan3A_53 step %scan3A_54 iter_args(%scan3A_611 = %scan3A_50) -> (i32)  : i32 {
      %mul3A_612 = arith.constant 16 : i32
      %mul3A_613 = arith.muli %scan3A_610, %mul3A_612 : i32
      %get3A_614 = arith.index_cast %mul3A_613 : i32 to index
      %get3A_615 = tpu.vector_load %arg5[%get3A_614] {strides = array<i32>} : memref<32768xf32, #tpu.memory_space<vmem>>, vector<16xf32>,
      %get3A_616 = vector.shape_cast %get3A_615 : vector<16xf32> to vector<16xf32>
      %mul3A_617 = arith.mulf %get3A_616, %div3A_6 : vector<16xf32>
      %swap3A = arith.index_cast %mul3A_613 : i32 to index
      %swap3A_618 = tpu.vector_load %arg5[%swap3A] {strides = array<i32>} : memref<32768xf32, #tpu.memory_space<vmem>>, vector<16xf32>,
      %swap3A_619 = vector.shape_cast %swap3A_618 : vector<16xf32> to vector<16xf32>
      %swap3A_620 = vector.shape_cast %mul3A_617 : vector<16xf32> to vector<16xf32>
      tpu.vector_store %arg5[%swap3A], %swap3A_620 {strides = array<i32>} : memref<32768xf32, #tpu.memory_space<vmem>>, vector<16xf32>,
      %scan3A_621 = arith.constant 0 : i32
      scf.yield %scan3A_621 : i32
    }
    %scan3A_56 = arith.constant 2048 : i32
    %add3A_57 = arith.constant 65536 : i32
    %add3A_58 = arith.addi %mul3A_2, %add3A_57 : i32
    %dma_start3A_59 = tpu.memref_slice %arg4[%add3A_58] : memref<33554432xf32, #tpu.memory_space<hbm>> -> memref<32768xf32, #tpu.memory_space<hbm>>
    %dma_start3A_60 = tpu.memref_slice %arg4[%add3A_58] : memref<33554432xf32, #tpu.memory_space<hbm>> -> memref<32768xf32, #tpu.memory_space<hbm>>
    tpu.enqueue_dma source(%arg5 : memref<32768xf32, #tpu.memory_space<vmem>>) target(%dma_start3A_60 : memref<32768xf32, #tpu.memory_space<hbm>>) target_semaphore(%arg10 : memref<!tpu.dma_semaphore, #tpu.memory_space<semaphore_mem>>)
    %dma_wait3A_61 = tpu.memref_slice %arg4[%add3A_58] : memref<33554432xf32, #tpu.memory_space<hbm>> -> memref<32768xf32, #tpu.memory_space<hbm>>
    %dma_wait3A_62 = tpu.memref_slice %arg4[%add3A_58] : memref<33554432xf32, #tpu.memory_space<hbm>> -> memref<32768xf32, #tpu.memory_space<hbm>>
    tpu.wait_dma2 semaphore(%arg10 : memref<!tpu.dma_semaphore, #tpu.memory_space<semaphore_mem>>) src(%arg5 : memref<32768xf32, #tpu.memory_space<vmem>>) dst(%dma_wait3A_62 : memref<32768xf32, #tpu.memory_space<hbm>>)
    %add3A_63 = arith.constant 131072 : i32
    %add3A_64 = arith.addi %mul3A_2, %add3A_63 : i32
    %dma_start3A_65 = tpu.memref_slice %arg2[%add3A_64] : memref<33554432xf32, #tpu.memory_space<hbm>> -> memref<32768xf32, #tpu.memory_space<hbm>>
    %dma_start3A_66 = tpu.memref_slice %arg2[%add3A_64] : memref<33554432xf32, #tpu.memory_space<hbm>> -> memref<32768xf32, #tpu.memory_space<hbm>>
    tpu.enqueue_dma source(%dma_start3A_66 : memref<32768xf32, #tpu.memory_space<hbm>>) target(%arg5 : memref<32768xf32, #tpu.memory_space<vmem>>) target_semaphore(%arg8 : memref<!tpu.dma_semaphore, #tpu.memory_space<semaphore_mem>>)
    %dma_wait3A_67 = tpu.memref_slice %arg2[%add3A_45] : memref<33554432xf32, #tpu.memory_space<hbm>> -> memref<32768xf32, #tpu.memory_space<hbm>>
    %dma_wait3A_68 = tpu.memref_slice %arg2[%add3A_45] : memref<33554432xf32, #tpu.memory_space<hbm>> -> memref<32768xf32, #tpu.memory_space<hbm>>
    tpu.wait_dma2 semaphore(%arg9 : memref<!tpu.dma_semaphore, #tpu.memory_space<semaphore_mem>>) src(%dma_wait3A_68 : memref<32768xf32, #tpu.memory_space<hbm>>) dst(%arg6 : memref<32768xf32, #tpu.memory_space<vmem>>)
    %scan3A_69 = arith.constant 0 : i32
    %scan3A_70 = arith.constant 0 : i32
    %scan3A_71 = arith.constant 2048 : i32
    %scan3A_72 = arith.addi %scan3A_70, %scan3A_71 : i32
    %scan3A_73 = arith.constant 1 : i32
    %scan3A_74 = scf.for %scan3A_610 = %scan3A_70 to %scan3A_72 step %scan3A_73 iter_args(%scan3A_611 = %scan3A_69) -> (i32)  : i32 {
      %mul3A_612 = arith.constant 16 : i32
      %mul3A_613 = arith.muli %scan3A_610, %mul3A_612 : i32
      %get3A_614 = arith.index_cast %mul3A_613 : i32 to index
      %get3A_615 = tpu.vector_load %arg6[%get3A_614] {strides = array<i32>} : memref<32768xf32, #tpu.memory_space<vmem>>, vector<16xf32>,
      %get3A_616 = vector.shape_cast %get3A_615 : vector<16xf32> to vector<16xf32>
      %mul3A_617 = arith.mulf %get3A_616, %div3A_6 : vector<16xf32>
      %swap3A = arith.index_cast %mul3A_613 : i32 to index
      %swap3A_618 = tpu.vector_load %arg6[%swap3A] {strides = array<i32>} : memref<32768xf32, #tpu.memory_space<vmem>>, vector<16xf32>,
      %swap3A_619 = vector.shape_cast %swap3A_618 : vector<16xf32> to vector<16xf32>
      %swap3A_620 = vector.shape_cast %mul3A_617 : vector<16xf32> to vector<16xf32>
      tpu.vector_store %arg6[%swap3A], %swap3A_620 {strides = array<i32>} : memref<32768xf32, #tpu.memory_space<vmem>>, vector<16xf32>,
      %scan3A_621 = arith.constant 0 : i32
      scf.yield %scan3A_621 : i32
    }
    %scan3A_75 = arith.constant 2048 : i32
    %add3A_76 = arith.constant 98304 : i32
    %add3A_77 = arith.addi %mul3A_2, %add3A_76 : i32
    %dma_start3A_78 = tpu.memref_slice %arg4[%add3A_77] : memref<33554432xf32, #tpu.memory_space<hbm>> -> memref<32768xf32, #tpu.memory_space<hbm>>
    %dma_start3A_79 = tpu.memref_slice %arg4[%add3A_77] : memref<33554432xf32, #tpu.memory_space<hbm>> -> memref<32768xf32, #tpu.memory_space<hbm>>
    tpu.enqueue_dma source(%arg6 : memref<32768xf32, #tpu.memory_space<vmem>>) target(%dma_start3A_79 : memref<32768xf32, #tpu.memory_space<hbm>>) target_semaphore(%arg11 : memref<!tpu.dma_semaphore, #tpu.memory_space<semaphore_mem>>)
    %dma_wait3A_80 = tpu.memref_slice %arg4[%add3A_77] : memref<33554432xf32, #tpu.memory_space<hbm>> -> memref<32768xf32, #tpu.memory_space<hbm>>
    %dma_wait3A_81 = tpu.memref_slice %arg4[%add3A_77] : memref<33554432xf32, #tpu.memory_space<hbm>> -> memref<32768xf32, #tpu.memory_space<hbm>>
    tpu.wait_dma2 semaphore(%arg11 : memref<!tpu.dma_semaphore, #tpu.memory_space<semaphore_mem>>) src(%arg6 : memref<32768xf32, #tpu.memory_space<vmem>>) dst(%dma_wait3A_81 : memref<32768xf32, #tpu.memory_space<hbm>>)
    %add3A_82 = arith.constant 163840 : i32
    %add3A_83 = arith.addi %mul3A_2, %add3A_82 : i32
    %dma_start3A_84 = tpu.memref_slice %arg2[%add3A_83] : memref<33554432xf32, #tpu.memory_space<hbm>> -> memref<32768xf32, #tpu.memory_space<hbm>>
    %dma_start3A_85 = tpu.memref_slice %arg2[%add3A_83] : memref<33554432xf32, #tpu.memory_space<hbm>> -> memref<32768xf32, #tpu.memory_space<hbm>>
    tpu.enqueue_dma source(%dma_start3A_85 : memref<32768xf32, #tpu.memory_space<hbm>>) target(%arg6 : memref<32768xf32, #tpu.memory_space<vmem>>) target_semaphore(%arg9 : memref<!tpu.dma_semaphore, #tpu.memory_space<semaphore_mem>>)
    %dma_wait3A_86 = tpu.memref_slice %arg2[%add3A_64] : memref<33554432xf32, #tpu.memory_space<hbm>> -> memref<32768xf32, #tpu.memory_space<hbm>>
    %dma_wait3A_87 = tpu.memref_slice %arg2[%add3A_64] : memref<33554432xf32, #tpu.memory_space<hbm>> -> memref<32768xf32, #tpu.memory_space<hbm>>
    tpu.wait_dma2 semaphore(%arg8 : memref<!tpu.dma_semaphore, #tpu.memory_space<semaphore_mem>>) src(%dma_wait3A_87 : memref<32768xf32, #tpu.memory_space<hbm>>) dst(%arg5 : memref<32768xf32, #tpu.memory_space<vmem>>)
    %scan3A_88 = arith.constant 0 : i32
    %scan3A_89 = arith.constant 0 : i32
    %scan3A_90 = arith.constant 2048 : i32
    %scan3A_91 = arith.addi %scan3A_89, %scan3A_90 : i32
    %scan3A_92 = arith.constant 1 : i32
    %scan3A_93 = scf.for %scan3A_610 = %scan3A_89 to %scan3A_91 step %scan3A_92 iter_args(%scan3A_611 = %scan3A_88) -> (i32)  : i32 {
      %mul3A_612 = arith.constant 16 : i32
      %mul3A_613 = arith.muli %scan3A_610, %mul3A_612 : i32
      %get3A_614 = arith.index_cast %mul3A_613 : i32 to index
      %get3A_615 = tpu.vector_load %arg5[%get3A_614] {strides = array<i32>} : memref<32768xf32, #tpu.memory_space<vmem>>, vector<16xf32>,
      %get3A_616 = vector.shape_cast %get3A_615 : vector<16xf32> to vector<16xf32>
      %mul3A_617 = arith.mulf %get3A_616, %div3A_6 : vector<16xf32>
      %swap3A = arith.index_cast %mul3A_613 : i32 to index
      %swap3A_618 = tpu.vector_load %arg5[%swap3A] {strides = array<i32>} : memref<32768xf32, #tpu.memory_space<vmem>>, vector<16xf32>,
      %swap3A_619 = vector.shape_cast %swap3A_618 : vector<16xf32> to vector<16xf32>
      %swap3A_620 = vector.shape_cast %mul3A_617 : vector<16xf32> to vector<16xf32>
      tpu.vector_store %arg5[%swap3A], %swap3A_620 {strides = array<i32>} : memref<32768xf32, #tpu.memory_space<vmem>>, vector<16xf32>,
      %scan3A_621 = arith.constant 0 : i32
      scf.yield %scan3A_621 : i32
    }
    %scan3A_94 = arith.constant 2048 : i32
    %add3A_95 = arith.constant 131072 : i32
    %add3A_96 = arith.addi %mul3A_2, %add3A_95 : i32
    %dma_start3A_97 = tpu.memref_slice %arg4[%add3A_96] : memref<33554432xf32, #tpu.memory_space<hbm>> -> memref<32768xf32, #tpu.memory_space<hbm>>
    %dma_start3A_98 = tpu.memref_slice %arg4[%add3A_96] : memref<33554432xf32, #tpu.memory_space<hbm>> -> memref<32768xf32, #tpu.memory_space<hbm>>
    tpu.enqueue_dma source(%arg5 : memref<32768xf32, #tpu.memory_space<vmem>>) target(%dma_start3A_98 : memref<32768xf32, #tpu.memory_space<hbm>>) target_semaphore(%arg10 : memref<!tpu.dma_semaphore, #tpu.memory_space<semaphore_mem>>)
    %dma_wait3A_99 = tpu.memref_slice %arg4[%add3A_96] : memref<33554432xf32, #tpu.memory_space<hbm>> -> memref<32768xf32, #tpu.memory_space<hbm>>
    %dma_wait3A_100 = tpu.memref_slice %arg4[%add3A_96] : memref<33554432xf32, #tpu.memory_space<hbm>> -> memref<32768xf32, #tpu.memory_space<hbm>>
    tpu.wait_dma2 semaphore(%arg10 : memref<!tpu.dma_semaphore, #tpu.memory_space<semaphore_mem>>) src(%arg5 : memref<32768xf32, #tpu.memory_space<vmem>>) dst(%dma_wait3A_100 : memref<32768xf32, #tpu.memory_space<hbm>>)
    %add3A_101 = arith.constant 196608 : i32
    %add3A_102 = arith.addi %mul3A_2, %add3A_101 : i32
    %dma_start3A_103 = tpu.memref_slice %arg2[%add3A_102] : memref<33554432xf32, #tpu.memory_space<hbm>> -> memref<32768xf32, #tpu.memory_space<hbm>>
    %dma_start3A_104 = tpu.memref_slice %arg2[%add3A_102] : memref<33554432xf32, #tpu.memory_space<hbm>> -> memref<32768xf32, #tpu.memory_space<hbm>>
    tpu.enqueue_dma source(%dma_start3A_104 : memref<32768xf32, #tpu.memory_space<hbm>>) target(%arg5 : memref<32768xf32, #tpu.memory_space<vmem>>) target_semaphore(%arg8 : memref<!tpu.dma_semaphore, #tpu.memory_space<semaphore_mem>>)
    %dma_wait3A_105 = tpu.memref_slice %arg2[%add3A_83] : memref<33554432xf32, #tpu.memory_space<hbm>> -> memref<32768xf32, #tpu.memory_space<hbm>>
    %dma_wait3A_106 = tpu.memref_slice %arg2[%add3A_83] : memref<33554432xf32, #tpu.memory_space<hbm>> -> memref<32768xf32, #tpu.memory_space<hbm>>
    tpu.wait_dma2 semaphore(%arg9 : memref<!tpu.dma_semaphore, #tpu.memory_space<semaphore_mem>>) src(%dma_wait3A_106 : memref<32768xf32, #tpu.memory_space<hbm>>) dst(%arg6 : memref<32768xf32, #tpu.memory_space<vmem>>)
    %scan3A_107 = arith.constant 0 : i32
    %scan3A_108 = arith.constant 0 : i32
    %scan3A_109 = arith.constant 2048 : i32
    %scan3A_110 = arith.addi %scan3A_108, %scan3A_109 : i32
    %scan3A_111 = arith.constant 1 : i32
    %scan3A_112 = scf.for %scan3A_610 = %scan3A_108 to %scan3A_110 step %scan3A_111 iter_args(%scan3A_611 = %scan3A_107) -> (i32)  : i32 {
      %mul3A_612 = arith.constant 16 : i32
      %mul3A_613 = arith.muli %scan3A_610, %mul3A_612 : i32
      %get3A_614 = arith.index_cast %mul3A_613 : i32 to index
      %get3A_615 = tpu.vector_load %arg6[%get3A_614] {strides = array<i32>} : memref<32768xf32, #tpu.memory_space<vmem>>, vector<16xf32>,
      %get3A_616 = vector.shape_cast %get3A_615 : vector<16xf32> to vector<16xf32>
      %mul3A_617 = arith.mulf %get3A_616, %div3A_6 : vector<16xf32>
      %swap3A = arith.index_cast %mul3A_613 : i32 to index
      %swap3A_618 = tpu.vector_load %arg6[%swap3A] {strides = array<i32>} : memref<32768xf32, #tpu.memory_space<vmem>>, vector<16xf32>,
      %swap3A_619 = vector.shape_cast %swap3A_618 : vector<16xf32> to vector<16xf32>
      %swap3A_620 = vector.shape_cast %mul3A_617 : vector<16xf32> to vector<16xf32>
      tpu.vector_store %arg6[%swap3A], %swap3A_620 {strides = array<i32>} : memref<32768xf32, #tpu.memory_space<vmem>>, vector<16xf32>,
      %scan3A_621 = arith.constant 0 : i32
      scf.yield %scan3A_621 : i32
    }
    %scan3A_113 = arith.constant 2048 : i32
    %add3A_114 = arith.constant 163840 : i32
    %add3A_115 = arith.addi %mul3A_2, %add3A_114 : i32
    %dma_start3A_116 = tpu.memref_slice %arg4[%add3A_115] : memref<33554432xf32, #tpu.memory_space<hbm>> -> memref<32768xf32, #tpu.memory_space<hbm>>
    %dma_start3A_117 = tpu.memref_slice %arg4[%add3A_115] : memref<33554432xf32, #tpu.memory_space<hbm>> -> memref<32768xf32, #tpu.memory_space<hbm>>
    tpu.enqueue_dma source(%arg6 : memref<32768xf32, #tpu.memory_space<vmem>>) target(%dma_start3A_117 : memref<32768xf32, #tpu.memory_space<hbm>>) target_semaphore(%arg11 : memref<!tpu.dma_semaphore, #tpu.memory_space<semaphore_mem>>)
    %dma_wait3A_118 = tpu.memref_slice %arg4[%add3A_115] : memref<33554432xf32, #tpu.memory_space<hbm>> -> memref<32768xf32, #tpu.memory_space<hbm>>
    %dma_wait3A_119 = tpu.memref_slice %arg4[%add3A_115] : memref<33554432xf32, #tpu.memory_space<hbm>> -> memref<32768xf32, #tpu.memory_space<hbm>>
    tpu.wait_dma2 semaphore(%arg11 : memref<!tpu.dma_semaphore, #tpu.memory_space<semaphore_mem>>) src(%arg6 : memref<32768xf32, #tpu.memory_space<vmem>>) dst(%dma_wait3A_119 : memref<32768xf32, #tpu.memory_space<hbm>>)
    %add3A_120 = arith.constant 229376 : i32
    %add3A_121 = arith.addi %mul3A_2, %add3A_120 : i32
    %dma_start3A_122 = tpu.memref_slice %arg2[%add3A_121] : memref<33554432xf32, #tpu.memory_space<hbm>> -> memref<32768xf32, #tpu.memory_space<hbm>>
    %dma_start3A_123 = tpu.memref_slice %arg2[%add3A_121] : memref<33554432xf32, #tpu.memory_space<hbm>> -> memref<32768xf32, #tpu.memory_space<hbm>>
    tpu.enqueue_dma source(%dma_start3A_123 : memref<32768xf32, #tpu.memory_space<hbm>>) target(%arg6 : memref<32768xf32, #tpu.memory_space<vmem>>) target_semaphore(%arg9 : memref<!tpu.dma_semaphore, #tpu.memory_space<semaphore_mem>>)
    %dma_wait3A_124 = tpu.memref_slice %arg2[%add3A_102] : memref<33554432xf32, #tpu.memory_space<hbm>> -> memref<32768xf32, #tpu.memory_space<hbm>>
    %dma_wait3A_125 = tpu.memref_slice %arg2[%add3A_102] : memref<33554432xf32, #tpu.memory_space<hbm>> -> memref<32768xf32, #tpu.memory_space<hbm>>
    tpu.wait_dma2 semaphore(%arg8 : memref<!tpu.dma_semaphore, #tpu.memory_space<semaphore_mem>>) src(%dma_wait3A_125 : memref<32768xf32, #tpu.memory_space<hbm>>) dst(%arg5 : memref<32768xf32, #tpu.memory_space<vmem>>)
    %scan3A_126 = arith.constant 0 : i32
    %scan3A_127 = arith.constant 0 : i32
    %scan3A_128 = arith.constant 2048 : i32
    %scan3A_129 = arith.addi %scan3A_127, %scan3A_128 : i32
    %scan3A_130 = arith.constant 1 : i32
    %scan3A_131 = scf.for %scan3A_610 = %scan3A_127 to %scan3A_129 step %scan3A_130 iter_args(%scan3A_611 = %scan3A_126) -> (i32)  : i32 {
      %mul3A_612 = arith.constant 16 : i32
      %mul3A_613 = arith.muli %scan3A_610, %mul3A_612 : i32
      %get3A_614 = arith.index_cast %mul3A_613 : i32 to index
      %get3A_615 = tpu.vector_load %arg5[%get3A_614] {strides = array<i32>} : memref<32768xf32, #tpu.memory_space<vmem>>, vector<16xf32>,
      %get3A_616 = vector.shape_cast %get3A_615 : vector<16xf32> to vector<16xf32>
      %mul3A_617 = arith.mulf %get3A_616, %div3A_6 : vector<16xf32>
      %swap3A = arith.index_cast %mul3A_613 : i32 to index
      %swap3A_618 = tpu.vector_load %arg5[%swap3A] {strides = array<i32>} : memref<32768xf32, #tpu.memory_space<vmem>>, vector<16xf32>,
      %swap3A_619 = vector.shape_cast %swap3A_618 : vector<16xf32> to vector<16xf32>
      %swap3A_620 = vector.shape_cast %mul3A_617 : vector<16xf32> to vector<16xf32>
      tpu.vector_store %arg5[%swap3A], %swap3A_620 {strides = array<i32>} : memref<32768xf32, #tpu.memory_space<vmem>>, vector<16xf32>,
      %scan3A_621 = arith.constant 0 : i32
      scf.yield %scan3A_621 : i32
    }
    %scan3A_132 = arith.constant 2048 : i32
    %add3A_133 = arith.constant 196608 : i32
    %add3A_134 = arith.addi %mul3A_2, %add3A_133 : i32
    %dma_start3A_135 = tpu.memref_slice %arg4[%add3A_134] : memref<33554432xf32, #tpu.memory_space<hbm>> -> memref<32768xf32, #tpu.memory_space<hbm>>
    %dma_start3A_136 = tpu.memref_slice %arg4[%add3A_134] : memref<33554432xf32, #tpu.memory_space<hbm>> -> memref<32768xf32, #tpu.memory_space<hbm>>
    tpu.enqueue_dma source(%arg5 : memref<32768xf32, #tpu.memory_space<vmem>>) target(%dma_start3A_136 : memref<32768xf32, #tpu.memory_space<hbm>>) target_semaphore(%arg10 : memref<!tpu.dma_semaphore, #tpu.memory_space<semaphore_mem>>)
    %dma_wait3A_137 = tpu.memref_slice %arg4[%add3A_134] : memref<33554432xf32, #tpu.memory_space<hbm>> -> memref<32768xf32, #tpu.memory_space<hbm>>
    %dma_wait3A_138 = tpu.memref_slice %arg4[%add3A_134] : memref<33554432xf32, #tpu.memory_space<hbm>> -> memref<32768xf32, #tpu.memory_space<hbm>>
    tpu.wait_dma2 semaphore(%arg10 : memref<!tpu.dma_semaphore, #tpu.memory_space<semaphore_mem>>) src(%arg5 : memref<32768xf32, #tpu.memory_space<vmem>>) dst(%dma_wait3A_138 : memref<32768xf32, #tpu.memory_space<hbm>>)
    %add3A_139 = arith.constant 262144 : i32
    %add3A_140 = arith.addi %mul3A_2, %add3A_139 : i32
    %dma_start3A_141 = tpu.memref_slice %arg2[%add3A_140] : memref<33554432xf32, #tpu.memory_space<hbm>> -> memref<32768xf32, #tpu.memory_space<hbm>>
    %dma_start3A_142 = tpu.memref_slice %arg2[%add3A_140] : memref<33554432xf32, #tpu.memory_space<hbm>> -> memref<32768xf32, #tpu.memory_space<hbm>>
    tpu.enqueue_dma source(%dma_start3A_142 : memref<32768xf32, #tpu.memory_space<hbm>>) target(%arg5 : memref<32768xf32, #tpu.memory_space<vmem>>) target_semaphore(%arg8 : memref<!tpu.dma_semaphore, #tpu.memory_space<semaphore_mem>>)
    %dma_wait3A_143 = tpu.memref_slice %arg2[%add3A_121] : memref<33554432xf32, #tpu.memory_space<hbm>> -> memref<32768xf32, #tpu.memory_space<hbm>>
    %dma_wait3A_144 = tpu.memref_slice %arg2[%add3A_121] : memref<33554432xf32, #tpu.memory_space<hbm>> -> memref<32768xf32, #tpu.memory_space<hbm>>
    tpu.wait_dma2 semaphore(%arg9 : memref<!tpu.dma_semaphore, #tpu.memory_space<semaphore_mem>>) src(%dma_wait3A_144 : memref<32768xf32, #tpu.memory_space<hbm>>) dst(%arg6 : memref<32768xf32, #tpu.memory_space<vmem>>)
    %scan3A_145 = arith.constant 0 : i32
    %scan3A_146 = arith.constant 0 : i32
    %scan3A_147 = arith.constant 2048 : i32
    %scan3A_148 = arith.addi %scan3A_146, %scan3A_147 : i32
    %scan3A_149 = arith.constant 1 : i32
    %scan3A_150 = scf.for %scan3A_610 = %scan3A_146 to %scan3A_148 step %scan3A_149 iter_args(%scan3A_611 = %scan3A_145) -> (i32)  : i32 {
      %mul3A_612 = arith.constant 16 : i32
      %mul3A_613 = arith.muli %scan3A_610, %mul3A_612 : i32
      %get3A_614 = arith.index_cast %mul3A_613 : i32 to index
      %get3A_615 = tpu.vector_load %arg6[%get3A_614] {strides = array<i32>} : memref<32768xf32, #tpu.memory_space<vmem>>, vector<16xf32>,
      %get3A_616 = vector.shape_cast %get3A_615 : vector<16xf32> to vector<16xf32>
      %mul3A_617 = arith.mulf %get3A_616, %div3A_6 : vector<16xf32>
      %swap3A = arith.index_cast %mul3A_613 : i32 to index
      %swap3A_618 = tpu.vector_load %arg6[%swap3A] {strides = array<i32>} : memref<32768xf32, #tpu.memory_space<vmem>>, vector<16xf32>,
      %swap3A_619 = vector.shape_cast %swap3A_618 : vector<16xf32> to vector<16xf32>
      %swap3A_620 = vector.shape_cast %mul3A_617 : vector<16xf32> to vector<16xf32>
      tpu.vector_store %arg6[%swap3A], %swap3A_620 {strides = array<i32>} : memref<32768xf32, #tpu.memory_space<vmem>>, vector<16xf32>,
      %scan3A_621 = arith.constant 0 : i32
      scf.yield %scan3A_621 : i32
    }
    %scan3A_151 = arith.constant 2048 : i32
    %add3A_152 = arith.constant 229376 : i32
    %add3A_153 = arith.addi %mul3A_2, %add3A_152 : i32
    %dma_start3A_154 = tpu.memref_slice %arg4[%add3A_153] : memref<33554432xf32, #tpu.memory_space<hbm>> -> memref<32768xf32, #tpu.memory_space<hbm>>
    %dma_start3A_155 = tpu.memref_slice %arg4[%add3A_153] : memref<33554432xf32, #tpu.memory_space<hbm>> -> memref<32768xf32, #tpu.memory_space<hbm>>
    tpu.enqueue_dma source(%arg6 : memref<32768xf32, #tpu.memory_space<vmem>>) target(%dma_start3A_155 : memref<32768xf32, #tpu.memory_space<hbm>>) target_semaphore(%arg11 : memref<!tpu.dma_semaphore, #tpu.memory_space<semaphore_mem>>)
    %dma_wait3A_156 = tpu.memref_slice %arg4[%add3A_153] : memref<33554432xf32, #tpu.memory_space<hbm>> -> memref<32768xf32, #tpu.memory_space<hbm>>
    %dma_wait3A_157 = tpu.memref_slice %arg4[%add3A_153] : memref<33554432xf32, #tpu.memory_space<hbm>> -> memref<32768xf32, #tpu.memory_space<hbm>>
    tpu.wait_dma2 semaphore(%arg11 : memref<!tpu.dma_semaphore, #tpu.memory_space<semaphore_mem>>) src(%arg6 : memref<32768xf32, #tpu.memory_space<vmem>>) dst(%dma_wait3A_157 : memref<32768xf32, #tpu.memory_space<hbm>>)
    %add3A_158 = arith.constant 294912 : i32
    %add3A_159 = arith.addi %mul3A_2, %add3A_158 : i32
    %dma_start3A_160 = tpu.memref_slice %arg2[%add3A_159] : memref<33554432xf32, #tpu.memory_space<hbm>> -> memref<32768xf32, #tpu.memory_space<hbm>>
    %dma_start3A_161 = tpu.memref_slice %arg2[%add3A_159] : memref<33554432xf32, #tpu.memory_space<hbm>> -> memref<32768xf32, #tpu.memory_space<hbm>>
    tpu.enqueue_dma source(%dma_start3A_161 : memref<32768xf32, #tpu.memory_space<hbm>>) target(%arg6 : memref<32768xf32, #tpu.memory_space<vmem>>) target_semaphore(%arg9 : memref<!tpu.dma_semaphore, #tpu.memory_space<semaphore_mem>>)
    %dma_wait3A_162 = tpu.memref_slice %arg2[%add3A_140] : memref<33554432xf32, #tpu.memory_space<hbm>> -> memref<32768xf32, #tpu.memory_space<hbm>>
    %dma_wait3A_163 = tpu.memref_slice %arg2[%add3A_140] : memref<33554432xf32, #tpu.memory_space<hbm>> -> memref<32768xf32, #tpu.memory_space<hbm>>
    tpu.wait_dma2 semaphore(%arg8 : memref<!tpu.dma_semaphore, #tpu.memory_space<semaphore_mem>>) src(%dma_wait3A_163 : memref<32768xf32, #tpu.memory_space<hbm>>) dst(%arg5 : memref<32768xf32, #tpu.memory_space<vmem>>)
    %scan3A_164 = arith.constant 0 : i32
    %scan3A_165 = arith.constant 0 : i32
    %scan3A_166 = arith.constant 2048 : i32
    %scan3A_167 = arith.addi %scan3A_165, %scan3A_166 : i32
    %scan3A_168 = arith.constant 1 : i32
    %scan3A_169 = scf.for %scan3A_610 = %scan3A_165 to %scan3A_167 step %scan3A_168 iter_args(%scan3A_611 = %scan3A_164) -> (i32)  : i32 {
      %mul3A_612 = arith.constant 16 : i32
      %mul3A_613 = arith.muli %scan3A_610, %mul3A_612 : i32
      %get3A_614 = arith.index_cast %mul3A_613 : i32 to index
      %get3A_615 = tpu.vector_load %arg5[%get3A_614] {strides = array<i32>} : memref<32768xf32, #tpu.memory_space<vmem>>, vector<16xf32>,
      %get3A_616 = vector.shape_cast %get3A_615 : vector<16xf32> to vector<16xf32>
      %mul3A_617 = arith.mulf %get3A_616, %div3A_6 : vector<16xf32>
      %swap3A = arith.index_cast %mul3A_613 : i32 to index
      %swap3A_618 = tpu.vector_load %arg5[%swap3A] {strides = array<i32>} : memref<32768xf32, #tpu.memory_space<vmem>>, vector<16xf32>,
      %swap3A_619 = vector.shape_cast %swap3A_618 : vector<16xf32> to vector<16xf32>
      %swap3A_620 = vector.shape_cast %mul3A_617 : vector<16xf32> to vector<16xf32>
      tpu.vector_store %arg5[%swap3A], %swap3A_620 {strides = array<i32>} : memref<32768xf32, #tpu.memory_space<vmem>>, vector<16xf32>,
      %scan3A_621 = arith.constant 0 : i32
      scf.yield %scan3A_621 : i32
    }
    %scan3A_170 = arith.constant 2048 : i32
    %add3A_171 = arith.constant 262144 : i32
    %add3A_172 = arith.addi %mul3A_2, %add3A_171 : i32
    %dma_start3A_173 = tpu.memref_slice %arg4[%add3A_172] : memref<33554432xf32, #tpu.memory_space<hbm>> -> memref<32768xf32, #tpu.memory_space<hbm>>
    %dma_start3A_174 = tpu.memref_slice %arg4[%add3A_172] : memref<33554432xf32, #tpu.memory_space<hbm>> -> memref<32768xf32, #tpu.memory_space<hbm>>
    tpu.enqueue_dma source(%arg5 : memref<32768xf32, #tpu.memory_space<vmem>>) target(%dma_start3A_174 : memref<32768xf32, #tpu.memory_space<hbm>>) target_semaphore(%arg10 : memref<!tpu.dma_semaphore, #tpu.memory_space<semaphore_mem>>)
    %dma_wait3A_175 = tpu.memref_slice %arg4[%add3A_172] : memref<33554432xf32, #tpu.memory_space<hbm>> -> memref<32768xf32, #tpu.memory_space<hbm>>
    %dma_wait3A_176 = tpu.memref_slice %arg4[%add3A_172] : memref<33554432xf32, #tpu.memory_space<hbm>> -> memref<32768xf32, #tpu.memory_space<hbm>>
    tpu.wait_dma2 semaphore(%arg10 : memref<!tpu.dma_semaphore, #tpu.memory_space<semaphore_mem>>) src(%arg5 : memref<32768xf32, #tpu.memory_space<vmem>>) dst(%dma_wait3A_176 : memref<32768xf32, #tpu.memory_space<hbm>>)
    %add3A_177 = arith.constant 327680 : i32
    %add3A_178 = arith.addi %mul3A_2, %add3A_177 : i32
    %dma_start3A_179 = tpu.memref_slice %arg2[%add3A_178] : memref<33554432xf32, #tpu.memory_space<hbm>> -> memref<32768xf32, #tpu.memory_space<hbm>>
    %dma_start3A_180 = tpu.memref_slice %arg2[%add3A_178] : memref<33554432xf32, #tpu.memory_space<hbm>> -> memref<32768xf32, #tpu.memory_space<hbm>>
    tpu.enqueue_dma source(%dma_start3A_180 : memref<32768xf32, #tpu.memory_space<hbm>>) target(%arg5 : memref<32768xf32, #tpu.memory_space<vmem>>) target_semaphore(%arg8 : memref<!tpu.dma_semaphore, #tpu.memory_space<semaphore_mem>>)
    %dma_wait3A_181 = tpu.memref_slice %arg2[%add3A_159] : memref<33554432xf32, #tpu.memory_space<hbm>> -> memref<32768xf32, #tpu.memory_space<hbm>>
    %dma_wait3A_182 = tpu.memref_slice %arg2[%add3A_159] : memref<33554432xf32, #tpu.memory_space<hbm>> -> memref<32768xf32, #tpu.memory_space<hbm>>
    tpu.wait_dma2 semaphore(%arg9 : memref<!tpu.dma_semaphore, #tpu.memory_space<semaphore_mem>>) src(%dma_wait3A_182 : memref<32768xf32, #tpu.memory_space<hbm>>) dst(%arg6 : memref<32768xf32, #tpu.memory_space<vmem>>)
    %scan3A_183 = arith.constant 0 : i32
    %scan3A_184 = arith.constant 0 : i32
    %scan3A_185 = arith.constant 2048 : i32
    %scan3A_186 = arith.addi %scan3A_184, %scan3A_185 : i32
    %scan3A_187 = arith.constant 1 : i32
    %scan3A_188 = scf.for %scan3A_610 = %scan3A_184 to %scan3A_186 step %scan3A_187 iter_args(%scan3A_611 = %scan3A_183) -> (i32)  : i32 {
      %mul3A_612 = arith.constant 16 : i32
      %mul3A_613 = arith.muli %scan3A_610, %mul3A_612 : i32
      %get3A_614 = arith.index_cast %mul3A_613 : i32 to index
      %get3A_615 = tpu.vector_load %arg6[%get3A_614] {strides = array<i32>} : memref<32768xf32, #tpu.memory_space<vmem>>, vector<16xf32>,
      %get3A_616 = vector.shape_cast %get3A_615 : vector<16xf32> to vector<16xf32>
      %mul3A_617 = arith.mulf %get3A_616, %div3A_6 : vector<16xf32>
      %swap3A = arith.index_cast %mul3A_613 : i32 to index
      %swap3A_618 = tpu.vector_load %arg6[%swap3A] {strides = array<i32>} : memref<32768xf32, #tpu.memory_space<vmem>>, vector<16xf32>,
      %swap3A_619 = vector.shape_cast %swap3A_618 : vector<16xf32> to vector<16xf32>
      %swap3A_620 = vector.shape_cast %mul3A_617 : vector<16xf32> to vector<16xf32>
      tpu.vector_store %arg6[%swap3A], %swap3A_620 {strides = array<i32>} : memref<32768xf32, #tpu.memory_space<vmem>>, vector<16xf32>,
      %scan3A_621 = arith.constant 0 : i32
      scf.yield %scan3A_621 : i32
    }
    %scan3A_189 = arith.constant 2048 : i32
    %add3A_190 = arith.constant 294912 : i32
    %add3A_191 = arith.addi %mul3A_2, %add3A_190 : i32
    %dma_start3A_192 = tpu.memref_slice %arg4[%add3A_191] : memref<33554432xf32, #tpu.memory_space<hbm>> -> memref<32768xf32, #tpu.memory_space<hbm>>
    %dma_start3A_193 = tpu.memref_slice %arg4[%add3A_191] : memref<33554432xf32, #tpu.memory_space<hbm>> -> memref<32768xf32, #tpu.memory_space<hbm>>
    tpu.enqueue_dma source(%arg6 : memref<32768xf32, #tpu.memory_space<vmem>>) target(%dma_start3A_193 : memref<32768xf32, #tpu.memory_space<hbm>>) target_semaphore(%arg11 : memref<!tpu.dma_semaphore, #tpu.memory_space<semaphore_mem>>)
    %dma_wait3A_194 = tpu.memref_slice %arg4[%add3A_191] : memref<33554432xf32, #tpu.memory_space<hbm>> -> memref<32768xf32, #tpu.memory_space<hbm>>
    %dma_wait3A_195 = tpu.memref_slice %arg4[%add3A_191] : memref<33554432xf32, #tpu.memory_space<hbm>> -> memref<32768xf32, #tpu.memory_space<hbm>>
    tpu.wait_dma2 semaphore(%arg11 : memref<!tpu.dma_semaphore, #tpu.memory_space<semaphore_mem>>) src(%arg6 : memref<32768xf32, #tpu.memory_space<vmem>>) dst(%dma_wait3A_195 : memref<32768xf32, #tpu.memory_space<hbm>>)
    %add3A_196 = arith.constant 360448 : i32
    %add3A_197 = arith.addi %mul3A_2, %add3A_196 : i32
    %dma_start3A_198 = tpu.memref_slice %arg2[%add3A_197] : memref<33554432xf32, #tpu.memory_space<hbm>> -> memref<32768xf32, #tpu.memory_space<hbm>>
    %dma_start3A_199 = tpu.memref_slice %arg2[%add3A_197] : memref<33554432xf32, #tpu.memory_space<hbm>> -> memref<32768xf32, #tpu.memory_space<hbm>>
    tpu.enqueue_dma source(%dma_start3A_199 : memref<32768xf32, #tpu.memory_space<hbm>>) target(%arg6 : memref<32768xf32, #tpu.memory_space<vmem>>) target_semaphore(%arg9 : memref<!tpu.dma_semaphore, #tpu.memory_space<semaphore_mem>>)
    %dma_wait3A_200 = tpu.memref_slice %arg2[%add3A_178] : memref<33554432xf32, #tpu.memory_space<hbm>> -> memref<32768xf32, #tpu.memory_space<hbm>>
    %dma_wait3A_201 = tpu.memref_slice %arg2[%add3A_178] : memref<33554432xf32, #tpu.memory_space<hbm>> -> memref<32768xf32, #tpu.memory_space<hbm>>
    tpu.wait_dma2 semaphore(%arg8 : memref<!tpu.dma_semaphore, #tpu.memory_space<semaphore_mem>>) src(%dma_wait3A_201 : memref<32768xf32, #tpu.memory_space<hbm>>) dst(%arg5 : memref<32768xf32, #tpu.memory_space<vmem>>)
    %scan3A_202 = arith.constant 0 : i32
    %scan3A_203 = arith.constant 0 : i32
    %scan3A_204 = arith.constant 2048 : i32
    %scan3A_205 = arith.addi %scan3A_203, %scan3A_204 : i32
    %scan3A_206 = arith.constant 1 : i32
    %scan3A_207 = scf.for %scan3A_610 = %scan3A_203 to %scan3A_205 step %scan3A_206 iter_args(%scan3A_611 = %scan3A_202) -> (i32)  : i32 {
      %mul3A_612 = arith.constant 16 : i32
      %mul3A_613 = arith.muli %scan3A_610, %mul3A_612 : i32
      %get3A_614 = arith.index_cast %mul3A_613 : i32 to index
      %get3A_615 = tpu.vector_load %arg5[%get3A_614] {strides = array<i32>} : memref<32768xf32, #tpu.memory_space<vmem>>, vector<16xf32>,
      %get3A_616 = vector.shape_cast %get3A_615 : vector<16xf32> to vector<16xf32>
      %mul3A_617 = arith.mulf %get3A_616, %div3A_6 : vector<16xf32>
      %swap3A = arith.index_cast %mul3A_613 : i32 to index
      %swap3A_618 = tpu.vector_load %arg5[%swap3A] {strides = array<i32>} : memref<32768xf32, #tpu.memory_space<vmem>>, vector<16xf32>,
      %swap3A_619 = vector.shape_cast %swap3A_618 : vector<16xf32> to vector<16xf32>
      %swap3A_620 = vector.shape_cast %mul3A_617 : vector<16xf32> to vector<16xf32>
      tpu.vector_store %arg5[%swap3A], %swap3A_620 {strides = array<i32>} : memref<32768xf32, #tpu.memory_space<vmem>>, vector<16xf32>,
      %scan3A_621 = arith.constant 0 : i32
      scf.yield %scan3A_621 : i32
    }
    %scan3A_208 = arith.constant 2048 : i32
    %add3A_209 = arith.constant 327680 : i32
    %add3A_210 = arith.addi %mul3A_2, %add3A_209 : i32
    %dma_start3A_211 = tpu.memref_slice %arg4[%add3A_210] : memref<33554432xf32, #tpu.memory_space<hbm>> -> memref<32768xf32, #tpu.memory_space<hbm>>
    %dma_start3A_212 = tpu.memref_slice %arg4[%add3A_210] : memref<33554432xf32, #tpu.memory_space<hbm>> -> memref<32768xf32, #tpu.memory_space<hbm>>
    tpu.enqueue_dma source(%arg5 : memref<32768xf32, #tpu.memory_space<vmem>>) target(%dma_start3A_212 : memref<32768xf32, #tpu.memory_space<hbm>>) target_semaphore(%arg10 : memref<!tpu.dma_semaphore, #tpu.memory_space<semaphore_mem>>)
    %dma_wait3A_213 = tpu.memref_slice %arg4[%add3A_210] : memref<33554432xf32, #tpu.memory_space<hbm>> -> memref<32768xf32, #tpu.memory_space<hbm>>
    %dma_wait3A_214 = tpu.memref_slice %arg4[%add3A_210] : memref<33554432xf32, #tpu.memory_space<hbm>> -> memref<32768xf32, #tpu.memory_space<hbm>>
    tpu.wait_dma2 semaphore(%arg10 : memref<!tpu.dma_semaphore, #tpu.memory_space<semaphore_mem>>) src(%arg5 : memref<32768xf32, #tpu.memory_space<vmem>>) dst(%dma_wait3A_214 : memref<32768xf32, #tpu.memory_space<hbm>>)
    %add3A_215 = arith.constant 393216 : i32
    %add3A_216 = arith.addi %mul3A_2, %add3A_215 : i32
    %dma_start3A_217 = tpu.memref_slice %arg2[%add3A_216] : memref<33554432xf32, #tpu.memory_space<hbm>> -> memref<32768xf32, #tpu.memory_space<hbm>>
    %dma_start3A_218 = tpu.memref_slice %arg2[%add3A_216] : memref<33554432xf32, #tpu.memory_space<hbm>> -> memref<32768xf32, #tpu.memory_space<hbm>>
    tpu.enqueue_dma source(%dma_start3A_218 : memref<32768xf32, #tpu.memory_space<hbm>>) target(%arg5 : memref<32768xf32, #tpu.memory_space<vmem>>) target_semaphore(%arg8 : memref<!tpu.dma_semaphore, #tpu.memory_space<semaphore_mem>>)
    %dma_wait3A_219 = tpu.memref_slice %arg2[%add3A_197] : memref<33554432xf32, #tpu.memory_space<hbm>> -> memref<32768xf32, #tpu.memory_space<hbm>>
    %dma_wait3A_220 = tpu.memref_slice %arg2[%add3A_197] : memref<33554432xf32, #tpu.memory_space<hbm>> -> memref<32768xf32, #tpu.memory_space<hbm>>
    tpu.wait_dma2 semaphore(%arg9 : memref<!tpu.dma_semaphore, #tpu.memory_space<semaphore_mem>>) src(%dma_wait3A_220 : memref<32768xf32, #tpu.memory_space<hbm>>) dst(%arg6 : memref<32768xf32, #tpu.memory_space<vmem>>)
    %scan3A_221 = arith.constant 0 : i32
    %scan3A_222 = arith.constant 0 : i32
    %scan3A_223 = arith.constant 2048 : i32
    %scan3A_224 = arith.addi %scan3A_222, %scan3A_223 : i32
    %scan3A_225 = arith.constant 1 : i32
    %scan3A_226 = scf.for %scan3A_610 = %scan3A_222 to %scan3A_224 step %scan3A_225 iter_args(%scan3A_611 = %scan3A_221) -> (i32)  : i32 {
      %mul3A_612 = arith.constant 16 : i32
      %mul3A_613 = arith.muli %scan3A_610, %mul3A_612 : i32
      %get3A_614 = arith.index_cast %mul3A_613 : i32 to index
      %get3A_615 = tpu.vector_load %arg6[%get3A_614] {strides = array<i32>} : memref<32768xf32, #tpu.memory_space<vmem>>, vector<16xf32>,
      %get3A_616 = vector.shape_cast %get3A_615 : vector<16xf32> to vector<16xf32>
      %mul3A_617 = arith.mulf %get3A_616, %div3A_6 : vector<16xf32>
      %swap3A = arith.index_cast %mul3A_613 : i32 to index
      %swap3A_618 = tpu.vector_load %arg6[%swap3A] {strides = array<i32>} : memref<32768xf32, #tpu.memory_space<vmem>>, vector<16xf32>,
      %swap3A_619 = vector.shape_cast %swap3A_618 : vector<16xf32> to vector<16xf32>
      %swap3A_620 = vector.shape_cast %mul3A_617 : vector<16xf32> to vector<16xf32>
      tpu.vector_store %arg6[%swap3A], %swap3A_620 {strides = array<i32>} : memref<32768xf32, #tpu.memory_space<vmem>>, vector<16xf32>,
      %scan3A_621 = arith.constant 0 : i32
      scf.yield %scan3A_621 : i32
    }
    %scan3A_227 = arith.constant 2048 : i32
    %add3A_228 = arith.constant 360448 : i32
    %add3A_229 = arith.addi %mul3A_2, %add3A_228 : i32
    %dma_start3A_230 = tpu.memref_slice %arg4[%add3A_229] : memref<33554432xf32, #tpu.memory_space<hbm>> -> memref<32768xf32, #tpu.memory_space<hbm>>
    %dma_start3A_231 = tpu.memref_slice %arg4[%add3A_229] : memref<33554432xf32, #tpu.memory_space<hbm>> -> memref<32768xf32, #tpu.memory_space<hbm>>
    tpu.enqueue_dma source(%arg6 : memref<32768xf32, #tpu.memory_space<vmem>>) target(%dma_start3A_231 : memref<32768xf32, #tpu.memory_space<hbm>>) target_semaphore(%arg11 : memref<!tpu.dma_semaphore, #tpu.memory_space<semaphore_mem>>)
    %dma_wait3A_232 = tpu.memref_slice %arg4[%add3A_229] : memref<33554432xf32, #tpu.memory_space<hbm>> -> memref<32768xf32, #tpu.memory_space<hbm>>
    %dma_wait3A_233 = tpu.memref_slice %arg4[%add3A_229] : memref<33554432xf32, #tpu.memory_space<hbm>> -> memref<32768xf32, #tpu.memory_space<hbm>>
    tpu.wait_dma2 semaphore(%arg11 : memref<!tpu.dma_semaphore, #tpu.memory_space<semaphore_mem>>) src(%arg6 : memref<32768xf32, #tpu.memory_space<vmem>>) dst(%dma_wait3A_233 : memref<32768xf32, #tpu.memory_space<hbm>>)
    %add3A_234 = arith.constant 425984 : i32
    %add3A_235 = arith.addi %mul3A_2, %add3A_234 : i32
    %dma_start3A_236 = tpu.memref_slice %arg2[%add3A_235] : memref<33554432xf32, #tpu.memory_space<hbm>> -> memref<32768xf32, #tpu.memory_space<hbm>>
    %dma_start3A_237 = tpu.memref_slice %arg2[%add3A_235] : memref<33554432xf32, #tpu.memory_space<hbm>> -> memref<32768xf32, #tpu.memory_space<hbm>>
    tpu.enqueue_dma source(%dma_start3A_237 : memref<32768xf32, #tpu.memory_space<hbm>>) target(%arg6 : memref<32768xf32, #tpu.memory_space<vmem>>) target_semaphore(%arg9 : memref<!tpu.dma_semaphore, #tpu.memory_space<semaphore_mem>>)
    %dma_wait3A_238 = tpu.memref_slice %arg2[%add3A_216] : memref<33554432xf32, #tpu.memory_space<hbm>> -> memref<32768xf32, #tpu.memory_space<hbm>>
    %dma_wait3A_239 = tpu.memref_slice %arg2[%add3A_216] : memref<33554432xf32, #tpu.memory_space<hbm>> -> memref<32768xf32, #tpu.memory_space<hbm>>
    tpu.wait_dma2 semaphore(%arg8 : memref<!tpu.dma_semaphore, #tpu.memory_space<semaphore_mem>>) src(%dma_wait3A_239 : memref<32768xf32, #tpu.memory_space<hbm>>) dst(%arg5 : memref<32768xf32, #tpu.memory_space<vmem>>)
    %scan3A_240 = arith.constant 0 : i32
    %scan3A_241 = arith.constant 0 : i32
    %scan3A_242 = arith.constant 2048 : i32
    %scan3A_243 = arith.addi %scan3A_241, %scan3A_242 : i32
    %scan3A_244 = arith.constant 1 : i32
    %scan3A_245 = scf.for %scan3A_610 = %scan3A_241 to %scan3A_243 step %scan3A_244 iter_args(%scan3A_611 = %scan3A_240) -> (i32)  : i32 {
      %mul3A_612 = arith.constant 16 : i32
      %mul3A_613 = arith.muli %scan3A_610, %mul3A_612 : i32
      %get3A_614 = arith.index_cast %mul3A_613 : i32 to index
      %get3A_615 = tpu.vector_load %arg5[%get3A_614] {strides = array<i32>} : memref<32768xf32, #tpu.memory_space<vmem>>, vector<16xf32>,
      %get3A_616 = vector.shape_cast %get3A_615 : vector<16xf32> to vector<16xf32>
      %mul3A_617 = arith.mulf %get3A_616, %div3A_6 : vector<16xf32>
      %swap3A = arith.index_cast %mul3A_613 : i32 to index
      %swap3A_618 = tpu.vector_load %arg5[%swap3A] {strides = array<i32>} : memref<32768xf32, #tpu.memory_space<vmem>>, vector<16xf32>,
      %swap3A_619 = vector.shape_cast %swap3A_618 : vector<16xf32> to vector<16xf32>
      %swap3A_620 = vector.shape_cast %mul3A_617 : vector<16xf32> to vector<16xf32>
      tpu.vector_store %arg5[%swap3A], %swap3A_620 {strides = array<i32>} : memref<32768xf32, #tpu.memory_space<vmem>>, vector<16xf32>,
      %scan3A_621 = arith.constant 0 : i32
      scf.yield %scan3A_621 : i32
    }
    %scan3A_246 = arith.constant 2048 : i32
    %add3A_247 = arith.constant 393216 : i32
    %add3A_248 = arith.addi %mul3A_2, %add3A_247 : i32
    %dma_start3A_249 = tpu.memref_slice %arg4[%add3A_248] : memref<33554432xf32, #tpu.memory_space<hbm>> -> memref<32768xf32, #tpu.memory_space<hbm>>
    %dma_start3A_250 = tpu.memref_slice %arg4[%add3A_248] : memref<33554432xf32, #tpu.memory_space<hbm>> -> memref<32768xf32, #tpu.memory_space<hbm>>
    tpu.enqueue_dma source(%arg5 : memref<32768xf32, #tpu.memory_space<vmem>>) target(%dma_start3A_250 : memref<32768xf32, #tpu.memory_space<hbm>>) target_semaphore(%arg10 : memref<!tpu.dma_semaphore, #tpu.memory_space<semaphore_mem>>)
    %dma_wait3A_251 = tpu.memref_slice %arg4[%add3A_248] : memref<33554432xf32, #tpu.memory_space<hbm>> -> memref<32768xf32, #tpu.memory_space<hbm>>
    %dma_wait3A_252 = tpu.memref_slice %arg4[%add3A_248] : memref<33554432xf32, #tpu.memory_space<hbm>> -> memref<32768xf32, #tpu.memory_space<hbm>>
    tpu.wait_dma2 semaphore(%arg10 : memref<!tpu.dma_semaphore, #tpu.memory_space<semaphore_mem>>) src(%arg5 : memref<32768xf32, #tpu.memory_space<vmem>>) dst(%dma_wait3A_252 : memref<32768xf32, #tpu.memory_space<hbm>>)
    %add3A_253 = arith.constant 458752 : i32
    %add3A_254 = arith.addi %mul3A_2, %add3A_253 : i32
    %dma_start3A_255 = tpu.memref_slice %arg2[%add3A_254] : memref<33554432xf32, #tpu.memory_space<hbm>> -> memref<32768xf32, #tpu.memory_space<hbm>>
    %dma_start3A_256 = tpu.memref_slice %arg2[%add3A_254] : memref<33554432xf32, #tpu.memory_space<hbm>> -> memref<32768xf32, #tpu.memory_space<hbm>>
    tpu.enqueue_dma source(%dma_start3A_256 : memref<32768xf32, #tpu.memory_space<hbm>>) target(%arg5 : memref<32768xf32, #tpu.memory_space<vmem>>) target_semaphore(%arg8 : memref<!tpu.dma_semaphore, #tpu.memory_space<semaphore_mem>>)
    %dma_wait3A_257 = tpu.memref_slice %arg2[%add3A_235] : memref<33554432xf32, #tpu.memory_space<hbm>> -> memref<32768xf32, #tpu.memory_space<hbm>>
    %dma_wait3A_258 = tpu.memref_slice %arg2[%add3A_235] : memref<33554432xf32, #tpu.memory_space<hbm>> -> memref<32768xf32, #tpu.memory_space<hbm>>
    tpu.wait_dma2 semaphore(%arg9 : memref<!tpu.dma_semaphore, #tpu.memory_space<semaphore_mem>>) src(%dma_wait3A_258 : memref<32768xf32, #tpu.memory_space<hbm>>) dst(%arg6 : memref<32768xf32, #tpu.memory_space<vmem>>)
    %scan3A_259 = arith.constant 0 : i32
    %scan3A_260 = arith.constant 0 : i32
    %scan3A_261 = arith.constant 2048 : i32
    %scan3A_262 = arith.addi %scan3A_260, %scan3A_261 : i32
    %scan3A_263 = arith.constant 1 : i32
    %scan3A_264 = scf.for %scan3A_610 = %scan3A_260 to %scan3A_262 step %scan3A_263 iter_args(%scan3A_611 = %scan3A_259) -> (i32)  : i32 {
      %mul3A_612 = arith.constant 16 : i32
      %mul3A_613 = arith.muli %scan3A_610, %mul3A_612 : i32
      %get3A_614 = arith.index_cast %mul3A_613 : i32 to index
      %get3A_615 = tpu.vector_load %arg6[%get3A_614] {strides = array<i32>} : memref<32768xf32, #tpu.memory_space<vmem>>, vector<16xf32>,
      %get3A_616 = vector.shape_cast %get3A_615 : vector<16xf32> to vector<16xf32>
      %mul3A_617 = arith.mulf %get3A_616, %div3A_6 : vector<16xf32>
      %swap3A = arith.index_cast %mul3A_613 : i32 to index
      %swap3A_618 = tpu.vector_load %arg6[%swap3A] {strides = array<i32>} : memref<32768xf32, #tpu.memory_space<vmem>>, vector<16xf32>,
      %swap3A_619 = vector.shape_cast %swap3A_618 : vector<16xf32> to vector<16xf32>
      %swap3A_620 = vector.shape_cast %mul3A_617 : vector<16xf32> to vector<16xf32>
      tpu.vector_store %arg6[%swap3A], %swap3A_620 {strides = array<i32>} : memref<32768xf32, #tpu.memory_space<vmem>>, vector<16xf32>,
      %scan3A_621 = arith.constant 0 : i32
      scf.yield %scan3A_621 : i32
    }
    %scan3A_265 = arith.constant 2048 : i32
    %add3A_266 = arith.constant 425984 : i32
    %add3A_267 = arith.addi %mul3A_2, %add3A_266 : i32
    %dma_start3A_268 = tpu.memref_slice %arg4[%add3A_267] : memref<33554432xf32, #tpu.memory_space<hbm>> -> memref<32768xf32, #tpu.memory_space<hbm>>
    %dma_start3A_269 = tpu.memref_slice %arg4[%add3A_267] : memref<33554432xf32, #tpu.memory_space<hbm>> -> memref<32768xf32, #tpu.memory_space<hbm>>
    tpu.enqueue_dma source(%arg6 : memref<32768xf32, #tpu.memory_space<vmem>>) target(%dma_start3A_269 : memref<32768xf32, #tpu.memory_space<hbm>>) target_semaphore(%arg11 : memref<!tpu.dma_semaphore, #tpu.memory_space<semaphore_mem>>)
    %dma_wait3A_270 = tpu.memref_slice %arg4[%add3A_267] : memref<33554432xf32, #tpu.memory_space<hbm>> -> memref<32768xf32, #tpu.memory_space<hbm>>
    %dma_wait3A_271 = tpu.memref_slice %arg4[%add3A_267] : memref<33554432xf32, #tpu.memory_space<hbm>> -> memref<32768xf32, #tpu.memory_space<hbm>>
    tpu.wait_dma2 semaphore(%arg11 : memref<!tpu.dma_semaphore, #tpu.memory_space<semaphore_mem>>) src(%arg6 : memref<32768xf32, #tpu.memory_space<vmem>>) dst(%dma_wait3A_271 : memref<32768xf32, #tpu.memory_space<hbm>>)
    %add3A_272 = arith.constant 491520 : i32
    %add3A_273 = arith.addi %mul3A_2, %add3A_272 : i32
    %dma_start3A_274 = tpu.memref_slice %arg2[%add3A_273] : memref<33554432xf32, #tpu.memory_space<hbm>> -> memref<32768xf32, #tpu.memory_space<hbm>>
    %dma_start3A_275 = tpu.memref_slice %arg2[%add3A_273] : memref<33554432xf32, #tpu.memory_space<hbm>> -> memref<32768xf32, #tpu.memory_space<hbm>>
    tpu.enqueue_dma source(%dma_start3A_275 : memref<32768xf32, #tpu.memory_space<hbm>>) target(%arg6 : memref<32768xf32, #tpu.memory_space<vmem>>) target_semaphore(%arg9 : memref<!tpu.dma_semaphore, #tpu.memory_space<semaphore_mem>>)
    %dma_wait3A_276 = tpu.memref_slice %arg2[%add3A_254] : memref<33554432xf32, #tpu.memory_space<hbm>> -> memref<32768xf32, #tpu.memory_space<hbm>>
    %dma_wait3A_277 = tpu.memref_slice %arg2[%add3A_254] : memref<33554432xf32, #tpu.memory_space<hbm>> -> memref<32768xf32, #tpu.memory_space<hbm>>
    tpu.wait_dma2 semaphore(%arg8 : memref<!tpu.dma_semaphore, #tpu.memory_space<semaphore_mem>>) src(%dma_wait3A_277 : memref<32768xf32, #tpu.memory_space<hbm>>) dst(%arg5 : memref<32768xf32, #tpu.memory_space<vmem>>)
    %scan3A_278 = arith.constant 0 : i32
    %scan3A_279 = arith.constant 0 : i32
    %scan3A_280 = arith.constant 2048 : i32
    %scan3A_281 = arith.addi %scan3A_279, %scan3A_280 : i32
    %scan3A_282 = arith.constant 1 : i32
    %scan3A_283 = scf.for %scan3A_610 = %scan3A_279 to %scan3A_281 step %scan3A_282 iter_args(%scan3A_611 = %scan3A_278) -> (i32)  : i32 {
      %mul3A_612 = arith.constant 16 : i32
      %mul3A_613 = arith.muli %scan3A_610, %mul3A_612 : i32
      %get3A_614 = arith.index_cast %mul3A_613 : i32 to index
      %get3A_615 = tpu.vector_load %arg5[%get3A_614] {strides = array<i32>} : memref<32768xf32, #tpu.memory_space<vmem>>, vector<16xf32>,
      %get3A_616 = vector.shape_cast %get3A_615 : vector<16xf32> to vector<16xf32>
      %mul3A_617 = arith.mulf %get3A_616, %div3A_6 : vector<16xf32>
      %swap3A = arith.index_cast %mul3A_613 : i32 to index
      %swap3A_618 = tpu.vector_load %arg5[%swap3A] {strides = array<i32>} : memref<32768xf32, #tpu.memory_space<vmem>>, vector<16xf32>,
      %swap3A_619 = vector.shape_cast %swap3A_618 : vector<16xf32> to vector<16xf32>
      %swap3A_620 = vector.shape_cast %mul3A_617 : vector<16xf32> to vector<16xf32>
      tpu.vector_store %arg5[%swap3A], %swap3A_620 {strides = array<i32>} : memref<32768xf32, #tpu.memory_space<vmem>>, vector<16xf32>,
      %scan3A_621 = arith.constant 0 : i32
      scf.yield %scan3A_621 : i32
    }
    %scan3A_284 = arith.constant 2048 : i32
    %add3A_285 = arith.constant 458752 : i32
    %add3A_286 = arith.addi %mul3A_2, %add3A_285 : i32
    %dma_start3A_287 = tpu.memref_slice %arg4[%add3A_286] : memref<33554432xf32, #tpu.memory_space<hbm>> -> memref<32768xf32, #tpu.memory_space<hbm>>
    %dma_start3A_288 = tpu.memref_slice %arg4[%add3A_286] : memref<33554432xf32, #tpu.memory_space<hbm>> -> memref<32768xf32, #tpu.memory_space<hbm>>
    tpu.enqueue_dma source(%arg5 : memref<32768xf32, #tpu.memory_space<vmem>>) target(%dma_start3A_288 : memref<32768xf32, #tpu.memory_space<hbm>>) target_semaphore(%arg10 : memref<!tpu.dma_semaphore, #tpu.memory_space<semaphore_mem>>)
    %dma_wait3A_289 = tpu.memref_slice %arg4[%add3A_286] : memref<33554432xf32, #tpu.memory_space<hbm>> -> memref<32768xf32, #tpu.memory_space<hbm>>
    %dma_wait3A_290 = tpu.memref_slice %arg4[%add3A_286] : memref<33554432xf32, #tpu.memory_space<hbm>> -> memref<32768xf32, #tpu.memory_space<hbm>>
    tpu.wait_dma2 semaphore(%arg10 : memref<!tpu.dma_semaphore, #tpu.memory_space<semaphore_mem>>) src(%arg5 : memref<32768xf32, #tpu.memory_space<vmem>>) dst(%dma_wait3A_290 : memref<32768xf32, #tpu.memory_space<hbm>>)
    %add3A_291 = arith.constant 524288 : i32
    %add3A_292 = arith.addi %mul3A_2, %add3A_291 : i32
    %dma_start3A_293 = tpu.memref_slice %arg2[%add3A_292] : memref<33554432xf32, #tpu.memory_space<hbm>> -> memref<32768xf32, #tpu.memory_space<hbm>>
    %dma_start3A_294 = tpu.memref_slice %arg2[%add3A_292] : memref<33554432xf32, #tpu.memory_space<hbm>> -> memref<32768xf32, #tpu.memory_space<hbm>>
    tpu.enqueue_dma source(%dma_start3A_294 : memref<32768xf32, #tpu.memory_space<hbm>>) target(%arg5 : memref<32768xf32, #tpu.memory_space<vmem>>) target_semaphore(%arg8 : memref<!tpu.dma_semaphore, #tpu.memory_space<semaphore_mem>>)
    %dma_wait3A_295 = tpu.memref_slice %arg2[%add3A_273] : memref<33554432xf32, #tpu.memory_space<hbm>> -> memref<32768xf32, #tpu.memory_space<hbm>>
    %dma_wait3A_296 = tpu.memref_slice %arg2[%add3A_273] : memref<33554432xf32, #tpu.memory_space<hbm>> -> memref<32768xf32, #tpu.memory_space<hbm>>
    tpu.wait_dma2 semaphore(%arg9 : memref<!tpu.dma_semaphore, #tpu.memory_space<semaphore_mem>>) src(%dma_wait3A_296 : memref<32768xf32, #tpu.memory_space<hbm>>) dst(%arg6 : memref<32768xf32, #tpu.memory_space<vmem>>)
    %scan3A_297 = arith.constant 0 : i32
    %scan3A_298 = arith.constant 0 : i32
    %scan3A_299 = arith.constant 2048 : i32
    %scan3A_300 = arith.addi %scan3A_298, %scan3A_299 : i32
    %scan3A_301 = arith.constant 1 : i32
    %scan3A_302 = scf.for %scan3A_610 = %scan3A_298 to %scan3A_300 step %scan3A_301 iter_args(%scan3A_611 = %scan3A_297) -> (i32)  : i32 {
      %mul3A_612 = arith.constant 16 : i32
      %mul3A_613 = arith.muli %scan3A_610, %mul3A_612 : i32
      %get3A_614 = arith.index_cast %mul3A_613 : i32 to index
      %get3A_615 = tpu.vector_load %arg6[%get3A_614] {strides = array<i32>} : memref<32768xf32, #tpu.memory_space<vmem>>, vector<16xf32>,
      %get3A_616 = vector.shape_cast %get3A_615 : vector<16xf32> to vector<16xf32>
      %mul3A_617 = arith.mulf %get3A_616, %div3A_6 : vector<16xf32>
      %swap3A = arith.index_cast %mul3A_613 : i32 to index
      %swap3A_618 = tpu.vector_load %arg6[%swap3A] {strides = array<i32>} : memref<32768xf32, #tpu.memory_space<vmem>>, vector<16xf32>,
      %swap3A_619 = vector.shape_cast %swap3A_618 : vector<16xf32> to vector<16xf32>
      %swap3A_620 = vector.shape_cast %mul3A_617 : vector<16xf32> to vector<16xf32>
      tpu.vector_store %arg6[%swap3A], %swap3A_620 {strides = array<i32>} : memref<32768xf32, #tpu.memory_space<vmem>>, vector<16xf32>,
      %scan3A_621 = arith.constant 0 : i32
      scf.yield %scan3A_621 : i32
    }
    %scan3A_303 = arith.constant 2048 : i32
    %add3A_304 = arith.constant 491520 : i32
    %add3A_305 = arith.addi %mul3A_2, %add3A_304 : i32
    %dma_start3A_306 = tpu.memref_slice %arg4[%add3A_305] : memref<33554432xf32, #tpu.memory_space<hbm>> -> memref<32768xf32, #tpu.memory_space<hbm>>
    %dma_start3A_307 = tpu.memref_slice %arg4[%add3A_305] : memref<33554432xf32, #tpu.memory_space<hbm>> -> memref<32768xf32, #tpu.memory_space<hbm>>
    tpu.enqueue_dma source(%arg6 : memref<32768xf32, #tpu.memory_space<vmem>>) target(%dma_start3A_307 : memref<32768xf32, #tpu.memory_space<hbm>>) target_semaphore(%arg11 : memref<!tpu.dma_semaphore, #tpu.memory_space<semaphore_mem>>)
    %dma_wait3A_308 = tpu.memref_slice %arg4[%add3A_305] : memref<33554432xf32, #tpu.memory_space<hbm>> -> memref<32768xf32, #tpu.memory_space<hbm>>
    %dma_wait3A_309 = tpu.memref_slice %arg4[%add3A_305] : memref<33554432xf32, #tpu.memory_space<hbm>> -> memref<32768xf32, #tpu.memory_space<hbm>>
    tpu.wait_dma2 semaphore(%arg11 : memref<!tpu.dma_semaphore, #tpu.memory_space<semaphore_mem>>) src(%arg6 : memref<32768xf32, #tpu.memory_space<vmem>>) dst(%dma_wait3A_309 : memref<32768xf32, #tpu.memory_space<hbm>>)
    %add3A_310 = arith.constant 557056 : i32
    %add3A_311 = arith.addi %mul3A_2, %add3A_310 : i32
    %dma_start3A_312 = tpu.memref_slice %arg2[%add3A_311] : memref<33554432xf32, #tpu.memory_space<hbm>> -> memref<32768xf32, #tpu.memory_space<hbm>>
    %dma_start3A_313 = tpu.memref_slice %arg2[%add3A_311] : memref<33554432xf32, #tpu.memory_space<hbm>> -> memref<32768xf32, #tpu.memory_space<hbm>>
    tpu.enqueue_dma source(%dma_start3A_313 : memref<32768xf32, #tpu.memory_space<hbm>>) target(%arg6 : memref<32768xf32, #tpu.memory_space<vmem>>) target_semaphore(%arg9 : memref<!tpu.dma_semaphore, #tpu.memory_space<semaphore_mem>>)
    %dma_wait3A_314 = tpu.memref_slice %arg2[%add3A_292] : memref<33554432xf32, #tpu.memory_space<hbm>> -> memref<32768xf32, #tpu.memory_space<hbm>>
    %dma_wait3A_315 = tpu.memref_slice %arg2[%add3A_292] : memref<33554432xf32, #tpu.memory_space<hbm>> -> memref<32768xf32, #tpu.memory_space<hbm>>
    tpu.wait_dma2 semaphore(%arg8 : memref<!tpu.dma_semaphore, #tpu.memory_space<semaphore_mem>>) src(%dma_wait3A_315 : memref<32768xf32, #tpu.memory_space<hbm>>) dst(%arg5 : memref<32768xf32, #tpu.memory_space<vmem>>)
    %scan3A_316 = arith.constant 0 : i32
    %scan3A_317 = arith.constant 0 : i32
    %scan3A_318 = arith.constant 2048 : i32
    %scan3A_319 = arith.addi %scan3A_317, %scan3A_318 : i32
    %scan3A_320 = arith.constant 1 : i32
    %scan3A_321 = scf.for %scan3A_610 = %scan3A_317 to %scan3A_319 step %scan3A_320 iter_args(%scan3A_611 = %scan3A_316) -> (i32)  : i32 {
      %mul3A_612 = arith.constant 16 : i32
      %mul3A_613 = arith.muli %scan3A_610, %mul3A_612 : i32
      %get3A_614 = arith.index_cast %mul3A_613 : i32 to index
      %get3A_615 = tpu.vector_load %arg5[%get3A_614] {strides = array<i32>} : memref<32768xf32, #tpu.memory_space<vmem>>, vector<16xf32>,
      %get3A_616 = vector.shape_cast %get3A_615 : vector<16xf32> to vector<16xf32>
      %mul3A_617 = arith.mulf %get3A_616, %div3A_6 : vector<16xf32>
      %swap3A = arith.index_cast %mul3A_613 : i32 to index
      %swap3A_618 = tpu.vector_load %arg5[%swap3A] {strides = array<i32>} : memref<32768xf32, #tpu.memory_space<vmem>>, vector<16xf32>,
      %swap3A_619 = vector.shape_cast %swap3A_618 : vector<16xf32> to vector<16xf32>
      %swap3A_620 = vector.shape_cast %mul3A_617 : vector<16xf32> to vector<16xf32>
      tpu.vector_store %arg5[%swap3A], %swap3A_620 {strides = array<i32>} : memref<32768xf32, #tpu.memory_space<vmem>>, vector<16xf32>,
      %scan3A_621 = arith.constant 0 : i32
      scf.yield %scan3A_621 : i32
    }
    %scan3A_322 = arith.constant 2048 : i32
    %add3A_323 = arith.constant 524288 : i32
    %add3A_324 = arith.addi %mul3A_2, %add3A_323 : i32
    %dma_start3A_325 = tpu.memref_slice %arg4[%add3A_324] : memref<33554432xf32, #tpu.memory_space<hbm>> -> memref<32768xf32, #tpu.memory_space<hbm>>
    %dma_start3A_326 = tpu.memref_slice %arg4[%add3A_324] : memref<33554432xf32, #tpu.memory_space<hbm>> -> memref<32768xf32, #tpu.memory_space<hbm>>
    tpu.enqueue_dma source(%arg5 : memref<32768xf32, #tpu.memory_space<vmem>>) target(%dma_start3A_326 : memref<32768xf32, #tpu.memory_space<hbm>>) target_semaphore(%arg10 : memref<!tpu.dma_semaphore, #tpu.memory_space<semaphore_mem>>)
    %dma_wait3A_327 = tpu.memref_slice %arg4[%add3A_324] : memref<33554432xf32, #tpu.memory_space<hbm>> -> memref<32768xf32, #tpu.memory_space<hbm>>
    %dma_wait3A_328 = tpu.memref_slice %arg4[%add3A_324] : memref<33554432xf32, #tpu.memory_space<hbm>> -> memref<32768xf32, #tpu.memory_space<hbm>>
    tpu.wait_dma2 semaphore(%arg10 : memref<!tpu.dma_semaphore, #tpu.memory_space<semaphore_mem>>) src(%arg5 : memref<32768xf32, #tpu.memory_space<vmem>>) dst(%dma_wait3A_328 : memref<32768xf32, #tpu.memory_space<hbm>>)
    %add3A_329 = arith.constant 589824 : i32
    %add3A_330 = arith.addi %mul3A_2, %add3A_329 : i32
    %dma_start3A_331 = tpu.memref_slice %arg2[%add3A_330] : memref<33554432xf32, #tpu.memory_space<hbm>> -> memref<32768xf32, #tpu.memory_space<hbm>>
    %dma_start3A_332 = tpu.memref_slice %arg2[%add3A_330] : memref<33554432xf32, #tpu.memory_space<hbm>> -> memref<32768xf32, #tpu.memory_space<hbm>>
    tpu.enqueue_dma source(%dma_start3A_332 : memref<32768xf32, #tpu.memory_space<hbm>>) target(%arg5 : memref<32768xf32, #tpu.memory_space<vmem>>) target_semaphore(%arg8 : memref<!tpu.dma_semaphore, #tpu.memory_space<semaphore_mem>>)
    %dma_wait3A_333 = tpu.memref_slice %arg2[%add3A_311] : memref<33554432xf32, #tpu.memory_space<hbm>> -> memref<32768xf32, #tpu.memory_space<hbm>>
    %dma_wait3A_334 = tpu.memref_slice %arg2[%add3A_311] : memref<33554432xf32, #tpu.memory_space<hbm>> -> memref<32768xf32, #tpu.memory_space<hbm>>
    tpu.wait_dma2 semaphore(%arg9 : memref<!tpu.dma_semaphore, #tpu.memory_space<semaphore_mem>>) src(%dma_wait3A_334 : memref<32768xf32, #tpu.memory_space<hbm>>) dst(%arg6 : memref<32768xf32, #tpu.memory_space<vmem>>)
    %scan3A_335 = arith.constant 0 : i32
    %scan3A_336 = arith.constant 0 : i32
    %scan3A_337 = arith.constant 2048 : i32
    %scan3A_338 = arith.addi %scan3A_336, %scan3A_337 : i32
    %scan3A_339 = arith.constant 1 : i32
    %scan3A_340 = scf.for %scan3A_610 = %scan3A_336 to %scan3A_338 step %scan3A_339 iter_args(%scan3A_611 = %scan3A_335) -> (i32)  : i32 {
      %mul3A_612 = arith.constant 16 : i32
      %mul3A_613 = arith.muli %scan3A_610, %mul3A_612 : i32
      %get3A_614 = arith.index_cast %mul3A_613 : i32 to index
      %get3A_615 = tpu.vector_load %arg6[%get3A_614] {strides = array<i32>} : memref<32768xf32, #tpu.memory_space<vmem>>, vector<16xf32>,
      %get3A_616 = vector.shape_cast %get3A_615 : vector<16xf32> to vector<16xf32>
      %mul3A_617 = arith.mulf %get3A_616, %div3A_6 : vector<16xf32>
      %swap3A = arith.index_cast %mul3A_613 : i32 to index
      %swap3A_618 = tpu.vector_load %arg6[%swap3A] {strides = array<i32>} : memref<32768xf32, #tpu.memory_space<vmem>>, vector<16xf32>,
      %swap3A_619 = vector.shape_cast %swap3A_618 : vector<16xf32> to vector<16xf32>
      %swap3A_620 = vector.shape_cast %mul3A_617 : vector<16xf32> to vector<16xf32>
      tpu.vector_store %arg6[%swap3A], %swap3A_620 {strides = array<i32>} : memref<32768xf32, #tpu.memory_space<vmem>>, vector<16xf32>,
      %scan3A_621 = arith.constant 0 : i32
      scf.yield %scan3A_621 : i32
    }
    %scan3A_341 = arith.constant 2048 : i32
    %add3A_342 = arith.constant 557056 : i32
    %add3A_343 = arith.addi %mul3A_2, %add3A_342 : i32
    %dma_start3A_344 = tpu.memref_slice %arg4[%add3A_343] : memref<33554432xf32, #tpu.memory_space<hbm>> -> memref<32768xf32, #tpu.memory_space<hbm>>
    %dma_start3A_345 = tpu.memref_slice %arg4[%add3A_343] : memref<33554432xf32, #tpu.memory_space<hbm>> -> memref<32768xf32, #tpu.memory_space<hbm>>
    tpu.enqueue_dma source(%arg6 : memref<32768xf32, #tpu.memory_space<vmem>>) target(%dma_start3A_345 : memref<32768xf32, #tpu.memory_space<hbm>>) target_semaphore(%arg11 : memref<!tpu.dma_semaphore, #tpu.memory_space<semaphore_mem>>)
    %dma_wait3A_346 = tpu.memref_slice %arg4[%add3A_343] : memref<33554432xf32, #tpu.memory_space<hbm>> -> memref<32768xf32, #tpu.memory_space<hbm>>
    %dma_wait3A_347 = tpu.memref_slice %arg4[%add3A_343] : memref<33554432xf32, #tpu.memory_space<hbm>> -> memref<32768xf32, #tpu.memory_space<hbm>>
    tpu.wait_dma2 semaphore(%arg11 : memref<!tpu.dma_semaphore, #tpu.memory_space<semaphore_mem>>) src(%arg6 : memref<32768xf32, #tpu.memory_space<vmem>>) dst(%dma_wait3A_347 : memref<32768xf32, #tpu.memory_space<hbm>>)
    %add3A_348 = arith.constant 622592 : i32
    %add3A_349 = arith.addi %mul3A_2, %add3A_348 : i32
    %dma_start3A_350 = tpu.memref_slice %arg2[%add3A_349] : memref<33554432xf32, #tpu.memory_space<hbm>> -> memref<32768xf32, #tpu.memory_space<hbm>>
    %dma_start3A_351 = tpu.memref_slice %arg2[%add3A_349] : memref<33554432xf32, #tpu.memory_space<hbm>> -> memref<32768xf32, #tpu.memory_space<hbm>>
    tpu.enqueue_dma source(%dma_start3A_351 : memref<32768xf32, #tpu.memory_space<hbm>>) target(%arg6 : memref<32768xf32, #tpu.memory_space<vmem>>) target_semaphore(%arg9 : memref<!tpu.dma_semaphore, #tpu.memory_space<semaphore_mem>>)
    %dma_wait3A_352 = tpu.memref_slice %arg2[%add3A_330] : memref<33554432xf32, #tpu.memory_space<hbm>> -> memref<32768xf32, #tpu.memory_space<hbm>>
    %dma_wait3A_353 = tpu.memref_slice %arg2[%add3A_330] : memref<33554432xf32, #tpu.memory_space<hbm>> -> memref<32768xf32, #tpu.memory_space<hbm>>
    tpu.wait_dma2 semaphore(%arg8 : memref<!tpu.dma_semaphore, #tpu.memory_space<semaphore_mem>>) src(%dma_wait3A_353 : memref<32768xf32, #tpu.memory_space<hbm>>) dst(%arg5 : memref<32768xf32, #tpu.memory_space<vmem>>)
    %scan3A_354 = arith.constant 0 : i32
    %scan3A_355 = arith.constant 0 : i32
    %scan3A_356 = arith.constant 2048 : i32
    %scan3A_357 = arith.addi %scan3A_355, %scan3A_356 : i32
    %scan3A_358 = arith.constant 1 : i32
    %scan3A_359 = scf.for %scan3A_610 = %scan3A_355 to %scan3A_357 step %scan3A_358 iter_args(%scan3A_611 = %scan3A_354) -> (i32)  : i32 {
      %mul3A_612 = arith.constant 16 : i32
      %mul3A_613 = arith.muli %scan3A_610, %mul3A_612 : i32
      %get3A_614 = arith.index_cast %mul3A_613 : i32 to index
      %get3A_615 = tpu.vector_load %arg5[%get3A_614] {strides = array<i32>} : memref<32768xf32, #tpu.memory_space<vmem>>, vector<16xf32>,
      %get3A_616 = vector.shape_cast %get3A_615 : vector<16xf32> to vector<16xf32>
      %mul3A_617 = arith.mulf %get3A_616, %div3A_6 : vector<16xf32>
      %swap3A = arith.index_cast %mul3A_613 : i32 to index
      %swap3A_618 = tpu.vector_load %arg5[%swap3A] {strides = array<i32>} : memref<32768xf32, #tpu.memory_space<vmem>>, vector<16xf32>,
      %swap3A_619 = vector.shape_cast %swap3A_618 : vector<16xf32> to vector<16xf32>
      %swap3A_620 = vector.shape_cast %mul3A_617 : vector<16xf32> to vector<16xf32>
      tpu.vector_store %arg5[%swap3A], %swap3A_620 {strides = array<i32>} : memref<32768xf32, #tpu.memory_space<vmem>>, vector<16xf32>,
      %scan3A_621 = arith.constant 0 : i32
      scf.yield %scan3A_621 : i32
    }
    %scan3A_360 = arith.constant 2048 : i32
    %add3A_361 = arith.constant 589824 : i32
    %add3A_362 = arith.addi %mul3A_2, %add3A_361 : i32
    %dma_start3A_363 = tpu.memref_slice %arg4[%add3A_362] : memref<33554432xf32, #tpu.memory_space<hbm>> -> memref<32768xf32, #tpu.memory_space<hbm>>
    %dma_start3A_364 = tpu.memref_slice %arg4[%add3A_362] : memref<33554432xf32, #tpu.memory_space<hbm>> -> memref<32768xf32, #tpu.memory_space<hbm>>
    tpu.enqueue_dma source(%arg5 : memref<32768xf32, #tpu.memory_space<vmem>>) target(%dma_start3A_364 : memref<32768xf32, #tpu.memory_space<hbm>>) target_semaphore(%arg10 : memref<!tpu.dma_semaphore, #tpu.memory_space<semaphore_mem>>)
    %dma_wait3A_365 = tpu.memref_slice %arg4[%add3A_362] : memref<33554432xf32, #tpu.memory_space<hbm>> -> memref<32768xf32, #tpu.memory_space<hbm>>
    %dma_wait3A_366 = tpu.memref_slice %arg4[%add3A_362] : memref<33554432xf32, #tpu.memory_space<hbm>> -> memref<32768xf32, #tpu.memory_space<hbm>>
    tpu.wait_dma2 semaphore(%arg10 : memref<!tpu.dma_semaphore, #tpu.memory_space<semaphore_mem>>) src(%arg5 : memref<32768xf32, #tpu.memory_space<vmem>>) dst(%dma_wait3A_366 : memref<32768xf32, #tpu.memory_space<hbm>>)
    %add3A_367 = arith.constant 655360 : i32
    %add3A_368 = arith.addi %mul3A_2, %add3A_367 : i32
    %dma_start3A_369 = tpu.memref_slice %arg2[%add3A_368] : memref<33554432xf32, #tpu.memory_space<hbm>> -> memref<32768xf32, #tpu.memory_space<hbm>>
    %dma_start3A_370 = tpu.memref_slice %arg2[%add3A_368] : memref<33554432xf32, #tpu.memory_space<hbm>> -> memref<32768xf32, #tpu.memory_space<hbm>>
    tpu.enqueue_dma source(%dma_start3A_370 : memref<32768xf32, #tpu.memory_space<hbm>>) target(%arg5 : memref<32768xf32, #tpu.memory_space<vmem>>) target_semaphore(%arg8 : memref<!tpu.dma_semaphore, #tpu.memory_space<semaphore_mem>>)
    %dma_wait3A_371 = tpu.memref_slice %arg2[%add3A_349] : memref<33554432xf32, #tpu.memory_space<hbm>> -> memref<32768xf32, #tpu.memory_space<hbm>>
    %dma_wait3A_372 = tpu.memref_slice %arg2[%add3A_349] : memref<33554432xf32, #tpu.memory_space<hbm>> -> memref<32768xf32, #tpu.memory_space<hbm>>
    tpu.wait_dma2 semaphore(%arg9 : memref<!tpu.dma_semaphore, #tpu.memory_space<semaphore_mem>>) src(%dma_wait3A_372 : memref<32768xf32, #tpu.memory_space<hbm>>) dst(%arg6 : memref<32768xf32, #tpu.memory_space<vmem>>)
    %scan3A_373 = arith.constant 0 : i32
    %scan3A_374 = arith.constant 0 : i32
    %scan3A_375 = arith.constant 2048 : i32
    %scan3A_376 = arith.addi %scan3A_374, %scan3A_375 : i32
    %scan3A_377 = arith.constant 1 : i32
    %scan3A_378 = scf.for %scan3A_610 = %scan3A_374 to %scan3A_376 step %scan3A_377 iter_args(%scan3A_611 = %scan3A_373) -> (i32)  : i32 {
      %mul3A_612 = arith.constant 16 : i32
      %mul3A_613 = arith.muli %scan3A_610, %mul3A_612 : i32
      %get3A_614 = arith.index_cast %mul3A_613 : i32 to index
      %get3A_615 = tpu.vector_load %arg6[%get3A_614] {strides = array<i32>} : memref<32768xf32, #tpu.memory_space<vmem>>, vector<16xf32>,
      %get3A_616 = vector.shape_cast %get3A_615 : vector<16xf32> to vector<16xf32>
      %mul3A_617 = arith.mulf %get3A_616, %div3A_6 : vector<16xf32>
      %swap3A = arith.index_cast %mul3A_613 : i32 to index
      %swap3A_618 = tpu.vector_load %arg6[%swap3A] {strides = array<i32>} : memref<32768xf32, #tpu.memory_space<vmem>>, vector<16xf32>,
      %swap3A_619 = vector.shape_cast %swap3A_618 : vector<16xf32> to vector<16xf32>
      %swap3A_620 = vector.shape_cast %mul3A_617 : vector<16xf32> to vector<16xf32>
      tpu.vector_store %arg6[%swap3A], %swap3A_620 {strides = array<i32>} : memref<32768xf32, #tpu.memory_space<vmem>>, vector<16xf32>,
      %scan3A_621 = arith.constant 0 : i32
      scf.yield %scan3A_621 : i32
    }
    %scan3A_379 = arith.constant 2048 : i32
    %add3A_380 = arith.constant 622592 : i32
    %add3A_381 = arith.addi %mul3A_2, %add3A_380 : i32
    %dma_start3A_382 = tpu.memref_slice %arg4[%add3A_381] : memref<33554432xf32, #tpu.memory_space<hbm>> -> memref<32768xf32, #tpu.memory_space<hbm>>
    %dma_start3A_383 = tpu.memref_slice %arg4[%add3A_381] : memref<33554432xf32, #tpu.memory_space<hbm>> -> memref<32768xf32, #tpu.memory_space<hbm>>
    tpu.enqueue_dma source(%arg6 : memref<32768xf32, #tpu.memory_space<vmem>>) target(%dma_start3A_383 : memref<32768xf32, #tpu.memory_space<hbm>>) target_semaphore(%arg11 : memref<!tpu.dma_semaphore, #tpu.memory_space<semaphore_mem>>)
    %dma_wait3A_384 = tpu.memref_slice %arg4[%add3A_381] : memref<33554432xf32, #tpu.memory_space<hbm>> -> memref<32768xf32, #tpu.memory_space<hbm>>
    %dma_wait3A_385 = tpu.memref_slice %arg4[%add3A_381] : memref<33554432xf32, #tpu.memory_space<hbm>> -> memref<32768xf32, #tpu.memory_space<hbm>>
    tpu.wait_dma2 semaphore(%arg11 : memref<!tpu.dma_semaphore, #tpu.memory_space<semaphore_mem>>) src(%arg6 : memref<32768xf32, #tpu.memory_space<vmem>>) dst(%dma_wait3A_385 : memref<32768xf32, #tpu.memory_space<hbm>>)
    %add3A_386 = arith.constant 688128 : i32
    %add3A_387 = arith.addi %mul3A_2, %add3A_386 : i32
    %dma_start3A_388 = tpu.memref_slice %arg2[%add3A_387] : memref<33554432xf32, #tpu.memory_space<hbm>> -> memref<32768xf32, #tpu.memory_space<hbm>>
    %dma_start3A_389 = tpu.memref_slice %arg2[%add3A_387] : memref<33554432xf32, #tpu.memory_space<hbm>> -> memref<32768xf32, #tpu.memory_space<hbm>>
    tpu.enqueue_dma source(%dma_start3A_389 : memref<32768xf32, #tpu.memory_space<hbm>>) target(%arg6 : memref<32768xf32, #tpu.memory_space<vmem>>) target_semaphore(%arg9 : memref<!tpu.dma_semaphore, #tpu.memory_space<semaphore_mem>>)
    %dma_wait3A_390 = tpu.memref_slice %arg2[%add3A_368] : memref<33554432xf32, #tpu.memory_space<hbm>> -> memref<32768xf32, #tpu.memory_space<hbm>>
    %dma_wait3A_391 = tpu.memref_slice %arg2[%add3A_368] : memref<33554432xf32, #tpu.memory_space<hbm>> -> memref<32768xf32, #tpu.memory_space<hbm>>
    tpu.wait_dma2 semaphore(%arg8 : memref<!tpu.dma_semaphore, #tpu.memory_space<semaphore_mem>>) src(%dma_wait3A_391 : memref<32768xf32, #tpu.memory_space<hbm>>) dst(%arg5 : memref<32768xf32, #tpu.memory_space<vmem>>)
    %scan3A_392 = arith.constant 0 : i32
    %scan3A_393 = arith.constant 0 : i32
    %scan3A_394 = arith.constant 2048 : i32
    %scan3A_395 = arith.addi %scan3A_393, %scan3A_394 : i32
    %scan3A_396 = arith.constant 1 : i32
    %scan3A_397 = scf.for %scan3A_610 = %scan3A_393 to %scan3A_395 step %scan3A_396 iter_args(%scan3A_611 = %scan3A_392) -> (i32)  : i32 {
      %mul3A_612 = arith.constant 16 : i32
      %mul3A_613 = arith.muli %scan3A_610, %mul3A_612 : i32
      %get3A_614 = arith.index_cast %mul3A_613 : i32 to index
      %get3A_615 = tpu.vector_load %arg5[%get3A_614] {strides = array<i32>} : memref<32768xf32, #tpu.memory_space<vmem>>, vector<16xf32>,
      %get3A_616 = vector.shape_cast %get3A_615 : vector<16xf32> to vector<16xf32>
      %mul3A_617 = arith.mulf %get3A_616, %div3A_6 : vector<16xf32>
      %swap3A = arith.index_cast %mul3A_613 : i32 to index
      %swap3A_618 = tpu.vector_load %arg5[%swap3A] {strides = array<i32>} : memref<32768xf32, #tpu.memory_space<vmem>>, vector<16xf32>,
      %swap3A_619 = vector.shape_cast %swap3A_618 : vector<16xf32> to vector<16xf32>
      %swap3A_620 = vector.shape_cast %mul3A_617 : vector<16xf32> to vector<16xf32>
      tpu.vector_store %arg5[%swap3A], %swap3A_620 {strides = array<i32>} : memref<32768xf32, #tpu.memory_space<vmem>>, vector<16xf32>,
      %scan3A_621 = arith.constant 0 : i32
      scf.yield %scan3A_621 : i32
    }
    %scan3A_398 = arith.constant 2048 : i32
    %add3A_399 = arith.constant 655360 : i32
    %add3A_400 = arith.addi %mul3A_2, %add3A_399 : i32
    %dma_start3A_401 = tpu.memref_slice %arg4[%add3A_400] : memref<33554432xf32, #tpu.memory_space<hbm>> -> memref<32768xf32, #tpu.memory_space<hbm>>
    %dma_start3A_402 = tpu.memref_slice %arg4[%add3A_400] : memref<33554432xf32, #tpu.memory_space<hbm>> -> memref<32768xf32, #tpu.memory_space<hbm>>
    tpu.enqueue_dma source(%arg5 : memref<32768xf32, #tpu.memory_space<vmem>>) target(%dma_start3A_402 : memref<32768xf32, #tpu.memory_space<hbm>>) target_semaphore(%arg10 : memref<!tpu.dma_semaphore, #tpu.memory_space<semaphore_mem>>)
    %dma_wait3A_403 = tpu.memref_slice %arg4[%add3A_400] : memref<33554432xf32, #tpu.memory_space<hbm>> -> memref<32768xf32, #tpu.memory_space<hbm>>
    %dma_wait3A_404 = tpu.memref_slice %arg4[%add3A_400] : memref<33554432xf32, #tpu.memory_space<hbm>> -> memref<32768xf32, #tpu.memory_space<hbm>>
    tpu.wait_dma2 semaphore(%arg10 : memref<!tpu.dma_semaphore, #tpu.memory_space<semaphore_mem>>) src(%arg5 : memref<32768xf32, #tpu.memory_space<vmem>>) dst(%dma_wait3A_404 : memref<32768xf32, #tpu.memory_space<hbm>>)
    %add3A_405 = arith.constant 720896 : i32
    %add3A_406 = arith.addi %mul3A_2, %add3A_405 : i32
    %dma_start3A_407 = tpu.memref_slice %arg2[%add3A_406] : memref<33554432xf32, #tpu.memory_space<hbm>> -> memref<32768xf32, #tpu.memory_space<hbm>>
    %dma_start3A_408 = tpu.memref_slice %arg2[%add3A_406] : memref<33554432xf32, #tpu.memory_space<hbm>> -> memref<32768xf32, #tpu.memory_space<hbm>>
    tpu.enqueue_dma source(%dma_start3A_408 : memref<32768xf32, #tpu.memory_space<hbm>>) target(%arg5 : memref<32768xf32, #tpu.memory_space<vmem>>) target_semaphore(%arg8 : memref<!tpu.dma_semaphore, #tpu.memory_space<semaphore_mem>>)
    %dma_wait3A_409 = tpu.memref_slice %arg2[%add3A_387] : memref<33554432xf32, #tpu.memory_space<hbm>> -> memref<32768xf32, #tpu.memory_space<hbm>>
    %dma_wait3A_410 = tpu.memref_slice %arg2[%add3A_387] : memref<33554432xf32, #tpu.memory_space<hbm>> -> memref<32768xf32, #tpu.memory_space<hbm>>
    tpu.wait_dma2 semaphore(%arg9 : memref<!tpu.dma_semaphore, #tpu.memory_space<semaphore_mem>>) src(%dma_wait3A_410 : memref<32768xf32, #tpu.memory_space<hbm>>) dst(%arg6 : memref<32768xf32, #tpu.memory_space<vmem>>)
    %scan3A_411 = arith.constant 0 : i32
    %scan3A_412 = arith.constant 0 : i32
    %scan3A_413 = arith.constant 2048 : i32
    %scan3A_414 = arith.addi %scan3A_412, %scan3A_413 : i32
    %scan3A_415 = arith.constant 1 : i32
    %scan3A_416 = scf.for %scan3A_610 = %scan3A_412 to %scan3A_414 step %scan3A_415 iter_args(%scan3A_611 = %scan3A_411) -> (i32)  : i32 {
      %mul3A_612 = arith.constant 16 : i32
      %mul3A_613 = arith.muli %scan3A_610, %mul3A_612 : i32
      %get3A_614 = arith.index_cast %mul3A_613 : i32 to index
      %get3A_615 = tpu.vector_load %arg6[%get3A_614] {strides = array<i32>} : memref<32768xf32, #tpu.memory_space<vmem>>, vector<16xf32>,
      %get3A_616 = vector.shape_cast %get3A_615 : vector<16xf32> to vector<16xf32>
      %mul3A_617 = arith.mulf %get3A_616, %div3A_6 : vector<16xf32>
      %swap3A = arith.index_cast %mul3A_613 : i32 to index
      %swap3A_618 = tpu.vector_load %arg6[%swap3A] {strides = array<i32>} : memref<32768xf32, #tpu.memory_space<vmem>>, vector<16xf32>,
      %swap3A_619 = vector.shape_cast %swap3A_618 : vector<16xf32> to vector<16xf32>
      %swap3A_620 = vector.shape_cast %mul3A_617 : vector<16xf32> to vector<16xf32>
      tpu.vector_store %arg6[%swap3A], %swap3A_620 {strides = array<i32>} : memref<32768xf32, #tpu.memory_space<vmem>>, vector<16xf32>,
      %scan3A_621 = arith.constant 0 : i32
      scf.yield %scan3A_621 : i32
    }
    %scan3A_417 = arith.constant 2048 : i32
    %add3A_418 = arith.constant 688128 : i32
    %add3A_419 = arith.addi %mul3A_2, %add3A_418 : i32
    %dma_start3A_420 = tpu.memref_slice %arg4[%add3A_419] : memref<33554432xf32, #tpu.memory_space<hbm>> -> memref<32768xf32, #tpu.memory_space<hbm>>
    %dma_start3A_421 = tpu.memref_slice %arg4[%add3A_419] : memref<33554432xf32, #tpu.memory_space<hbm>> -> memref<32768xf32, #tpu.memory_space<hbm>>
    tpu.enqueue_dma source(%arg6 : memref<32768xf32, #tpu.memory_space<vmem>>) target(%dma_start3A_421 : memref<32768xf32, #tpu.memory_space<hbm>>) target_semaphore(%arg11 : memref<!tpu.dma_semaphore, #tpu.memory_space<semaphore_mem>>)
    %dma_wait3A_422 = tpu.memref_slice %arg4[%add3A_419] : memref<33554432xf32, #tpu.memory_space<hbm>> -> memref<32768xf32, #tpu.memory_space<hbm>>
    %dma_wait3A_423 = tpu.memref_slice %arg4[%add3A_419] : memref<33554432xf32, #tpu.memory_space<hbm>> -> memref<32768xf32, #tpu.memory_space<hbm>>
    tpu.wait_dma2 semaphore(%arg11 : memref<!tpu.dma_semaphore, #tpu.memory_space<semaphore_mem>>) src(%arg6 : memref<32768xf32, #tpu.memory_space<vmem>>) dst(%dma_wait3A_423 : memref<32768xf32, #tpu.memory_space<hbm>>)
    %add3A_424 = arith.constant 753664 : i32
    %add3A_425 = arith.addi %mul3A_2, %add3A_424 : i32
    %dma_start3A_426 = tpu.memref_slice %arg2[%add3A_425] : memref<33554432xf32, #tpu.memory_space<hbm>> -> memref<32768xf32, #tpu.memory_space<hbm>>
    %dma_start3A_427 = tpu.memref_slice %arg2[%add3A_425] : memref<33554432xf32, #tpu.memory_space<hbm>> -> memref<32768xf32, #tpu.memory_space<hbm>>
    tpu.enqueue_dma source(%dma_start3A_427 : memref<32768xf32, #tpu.memory_space<hbm>>) target(%arg6 : memref<32768xf32, #tpu.memory_space<vmem>>) target_semaphore(%arg9 : memref<!tpu.dma_semaphore, #tpu.memory_space<semaphore_mem>>)
    %dma_wait3A_428 = tpu.memref_slice %arg2[%add3A_406] : memref<33554432xf32, #tpu.memory_space<hbm>> -> memref<32768xf32, #tpu.memory_space<hbm>>
    %dma_wait3A_429 = tpu.memref_slice %arg2[%add3A_406] : memref<33554432xf32, #tpu.memory_space<hbm>> -> memref<32768xf32, #tpu.memory_space<hbm>>
    tpu.wait_dma2 semaphore(%arg8 : memref<!tpu.dma_semaphore, #tpu.memory_space<semaphore_mem>>) src(%dma_wait3A_429 : memref<32768xf32, #tpu.memory_space<hbm>>) dst(%arg5 : memref<32768xf32, #tpu.memory_space<vmem>>)
    %scan3A_430 = arith.constant 0 : i32
    %scan3A_431 = arith.constant 0 : i32
    %scan3A_432 = arith.constant 2048 : i32
    %scan3A_433 = arith.addi %scan3A_431, %scan3A_432 : i32
    %scan3A_434 = arith.constant 1 : i32
    %scan3A_435 = scf.for %scan3A_610 = %scan3A_431 to %scan3A_433 step %scan3A_434 iter_args(%scan3A_611 = %scan3A_430) -> (i32)  : i32 {
      %mul3A_612 = arith.constant 16 : i32
      %mul3A_613 = arith.muli %scan3A_610, %mul3A_612 : i32
      %get3A_614 = arith.index_cast %mul3A_613 : i32 to index
      %get3A_615 = tpu.vector_load %arg5[%get3A_614] {strides = array<i32>} : memref<32768xf32, #tpu.memory_space<vmem>>, vector<16xf32>,
      %get3A_616 = vector.shape_cast %get3A_615 : vector<16xf32> to vector<16xf32>
      %mul3A_617 = arith.mulf %get3A_616, %div3A_6 : vector<16xf32>
      %swap3A = arith.index_cast %mul3A_613 : i32 to index
      %swap3A_618 = tpu.vector_load %arg5[%swap3A] {strides = array<i32>} : memref<32768xf32, #tpu.memory_space<vmem>>, vector<16xf32>,
      %swap3A_619 = vector.shape_cast %swap3A_618 : vector<16xf32> to vector<16xf32>
      %swap3A_620 = vector.shape_cast %mul3A_617 : vector<16xf32> to vector<16xf32>
      tpu.vector_store %arg5[%swap3A], %swap3A_620 {strides = array<i32>} : memref<32768xf32, #tpu.memory_space<vmem>>, vector<16xf32>,
      %scan3A_621 = arith.constant 0 : i32
      scf.yield %scan3A_621 : i32
    }
    %scan3A_436 = arith.constant 2048 : i32
    %add3A_437 = arith.constant 720896 : i32
    %add3A_438 = arith.addi %mul3A_2, %add3A_437 : i32
    %dma_start3A_439 = tpu.memref_slice %arg4[%add3A_438] : memref<33554432xf32, #tpu.memory_space<hbm>> -> memref<32768xf32, #tpu.memory_space<hbm>>
    %dma_start3A_440 = tpu.memref_slice %arg4[%add3A_438] : memref<33554432xf32, #tpu.memory_space<hbm>> -> memref<32768xf32, #tpu.memory_space<hbm>>
    tpu.enqueue_dma source(%arg5 : memref<32768xf32, #tpu.memory_space<vmem>>) target(%dma_start3A_440 : memref<32768xf32, #tpu.memory_space<hbm>>) target_semaphore(%arg10 : memref<!tpu.dma_semaphore, #tpu.memory_space<semaphore_mem>>)
    %dma_wait3A_441 = tpu.memref_slice %arg4[%add3A_438] : memref<33554432xf32, #tpu.memory_space<hbm>> -> memref<32768xf32, #tpu.memory_space<hbm>>
    %dma_wait3A_442 = tpu.memref_slice %arg4[%add3A_438] : memref<33554432xf32, #tpu.memory_space<hbm>> -> memref<32768xf32, #tpu.memory_space<hbm>>
    tpu.wait_dma2 semaphore(%arg10 : memref<!tpu.dma_semaphore, #tpu.memory_space<semaphore_mem>>) src(%arg5 : memref<32768xf32, #tpu.memory_space<vmem>>) dst(%dma_wait3A_442 : memref<32768xf32, #tpu.memory_space<hbm>>)
    %add3A_443 = arith.constant 786432 : i32
    %add3A_444 = arith.addi %mul3A_2, %add3A_443 : i32
    %dma_start3A_445 = tpu.memref_slice %arg2[%add3A_444] : memref<33554432xf32, #tpu.memory_space<hbm>> -> memref<32768xf32, #tpu.memory_space<hbm>>
    %dma_start3A_446 = tpu.memref_slice %arg2[%add3A_444] : memref<33554432xf32, #tpu.memory_space<hbm>> -> memref<32768xf32, #tpu.memory_space<hbm>>
    tpu.enqueue_dma source(%dma_start3A_446 : memref<32768xf32, #tpu.memory_space<hbm>>) target(%arg5 : memref<32768xf32, #tpu.memory_space<vmem>>) target_semaphore(%arg8 : memref<!tpu.dma_semaphore, #tpu.memory_space<semaphore_mem>>)
    %dma_wait3A_447 = tpu.memref_slice %arg2[%add3A_425] : memref<33554432xf32, #tpu.memory_space<hbm>> -> memref<32768xf32, #tpu.memory_space<hbm>>
    %dma_wait3A_448 = tpu.memref_slice %arg2[%add3A_425] : memref<33554432xf32, #tpu.memory_space<hbm>> -> memref<32768xf32, #tpu.memory_space<hbm>>
    tpu.wait_dma2 semaphore(%arg9 : memref<!tpu.dma_semaphore, #tpu.memory_space<semaphore_mem>>) src(%dma_wait3A_448 : memref<32768xf32, #tpu.memory_space<hbm>>) dst(%arg6 : memref<32768xf32, #tpu.memory_space<vmem>>)
    %scan3A_449 = arith.constant 0 : i32
    %scan3A_450 = arith.constant 0 : i32
    %scan3A_451 = arith.constant 2048 : i32
    %scan3A_452 = arith.addi %scan3A_450, %scan3A_451 : i32
    %scan3A_453 = arith.constant 1 : i32
    %scan3A_454 = scf.for %scan3A_610 = %scan3A_450 to %scan3A_452 step %scan3A_453 iter_args(%scan3A_611 = %scan3A_449) -> (i32)  : i32 {
      %mul3A_612 = arith.constant 16 : i32
      %mul3A_613 = arith.muli %scan3A_610, %mul3A_612 : i32
      %get3A_614 = arith.index_cast %mul3A_613 : i32 to index
      %get3A_615 = tpu.vector_load %arg6[%get3A_614] {strides = array<i32>} : memref<32768xf32, #tpu.memory_space<vmem>>, vector<16xf32>,
      %get3A_616 = vector.shape_cast %get3A_615 : vector<16xf32> to vector<16xf32>
      %mul3A_617 = arith.mulf %get3A_616, %div3A_6 : vector<16xf32>
      %swap3A = arith.index_cast %mul3A_613 : i32 to index
      %swap3A_618 = tpu.vector_load %arg6[%swap3A] {strides = array<i32>} : memref<32768xf32, #tpu.memory_space<vmem>>, vector<16xf32>,
      %swap3A_619 = vector.shape_cast %swap3A_618 : vector<16xf32> to vector<16xf32>
      %swap3A_620 = vector.shape_cast %mul3A_617 : vector<16xf32> to vector<16xf32>
      tpu.vector_store %arg6[%swap3A], %swap3A_620 {strides = array<i32>} : memref<32768xf32, #tpu.memory_space<vmem>>, vector<16xf32>,
      %scan3A_621 = arith.constant 0 : i32
      scf.yield %scan3A_621 : i32
    }
    %scan3A_455 = arith.constant 2048 : i32
    %add3A_456 = arith.constant 753664 : i32
    %add3A_457 = arith.addi %mul3A_2, %add3A_456 : i32
    %dma_start3A_458 = tpu.memref_slice %arg4[%add3A_457] : memref<33554432xf32, #tpu.memory_space<hbm>> -> memref<32768xf32, #tpu.memory_space<hbm>>
    %dma_start3A_459 = tpu.memref_slice %arg4[%add3A_457] : memref<33554432xf32, #tpu.memory_space<hbm>> -> memref<32768xf32, #tpu.memory_space<hbm>>
    tpu.enqueue_dma source(%arg6 : memref<32768xf32, #tpu.memory_space<vmem>>) target(%dma_start3A_459 : memref<32768xf32, #tpu.memory_space<hbm>>) target_semaphore(%arg11 : memref<!tpu.dma_semaphore, #tpu.memory_space<semaphore_mem>>)
    %dma_wait3A_460 = tpu.memref_slice %arg4[%add3A_457] : memref<33554432xf32, #tpu.memory_space<hbm>> -> memref<32768xf32, #tpu.memory_space<hbm>>
    %dma_wait3A_461 = tpu.memref_slice %arg4[%add3A_457] : memref<33554432xf32, #tpu.memory_space<hbm>> -> memref<32768xf32, #tpu.memory_space<hbm>>
    tpu.wait_dma2 semaphore(%arg11 : memref<!tpu.dma_semaphore, #tpu.memory_space<semaphore_mem>>) src(%arg6 : memref<32768xf32, #tpu.memory_space<vmem>>) dst(%dma_wait3A_461 : memref<32768xf32, #tpu.memory_space<hbm>>)
    %add3A_462 = arith.constant 819200 : i32
    %add3A_463 = arith.addi %mul3A_2, %add3A_462 : i32
    %dma_start3A_464 = tpu.memref_slice %arg2[%add3A_463] : memref<33554432xf32, #tpu.memory_space<hbm>> -> memref<32768xf32, #tpu.memory_space<hbm>>
    %dma_start3A_465 = tpu.memref_slice %arg2[%add3A_463] : memref<33554432xf32, #tpu.memory_space<hbm>> -> memref<32768xf32, #tpu.memory_space<hbm>>
    tpu.enqueue_dma source(%dma_start3A_465 : memref<32768xf32, #tpu.memory_space<hbm>>) target(%arg6 : memref<32768xf32, #tpu.memory_space<vmem>>) target_semaphore(%arg9 : memref<!tpu.dma_semaphore, #tpu.memory_space<semaphore_mem>>)
    %dma_wait3A_466 = tpu.memref_slice %arg2[%add3A_444] : memref<33554432xf32, #tpu.memory_space<hbm>> -> memref<32768xf32, #tpu.memory_space<hbm>>
    %dma_wait3A_467 = tpu.memref_slice %arg2[%add3A_444] : memref<33554432xf32, #tpu.memory_space<hbm>> -> memref<32768xf32, #tpu.memory_space<hbm>>
    tpu.wait_dma2 semaphore(%arg8 : memref<!tpu.dma_semaphore, #tpu.memory_space<semaphore_mem>>) src(%dma_wait3A_467 : memref<32768xf32, #tpu.memory_space<hbm>>) dst(%arg5 : memref<32768xf32, #tpu.memory_space<vmem>>)
    %scan3A_468 = arith.constant 0 : i32
    %scan3A_469 = arith.constant 0 : i32
    %scan3A_470 = arith.constant 2048 : i32
    %scan3A_471 = arith.addi %scan3A_469, %scan3A_470 : i32
    %scan3A_472 = arith.constant 1 : i32
    %scan3A_473 = scf.for %scan3A_610 = %scan3A_469 to %scan3A_471 step %scan3A_472 iter_args(%scan3A_611 = %scan3A_468) -> (i32)  : i32 {
      %mul3A_612 = arith.constant 16 : i32
      %mul3A_613 = arith.muli %scan3A_610, %mul3A_612 : i32
      %get3A_614 = arith.index_cast %mul3A_613 : i32 to index
      %get3A_615 = tpu.vector_load %arg5[%get3A_614] {strides = array<i32>} : memref<32768xf32, #tpu.memory_space<vmem>>, vector<16xf32>,
      %get3A_616 = vector.shape_cast %get3A_615 : vector<16xf32> to vector<16xf32>
      %mul3A_617 = arith.mulf %get3A_616, %div3A_6 : vector<16xf32>
      %swap3A = arith.index_cast %mul3A_613 : i32 to index
      %swap3A_618 = tpu.vector_load %arg5[%swap3A] {strides = array<i32>} : memref<32768xf32, #tpu.memory_space<vmem>>, vector<16xf32>,
      %swap3A_619 = vector.shape_cast %swap3A_618 : vector<16xf32> to vector<16xf32>
      %swap3A_620 = vector.shape_cast %mul3A_617 : vector<16xf32> to vector<16xf32>
      tpu.vector_store %arg5[%swap3A], %swap3A_620 {strides = array<i32>} : memref<32768xf32, #tpu.memory_space<vmem>>, vector<16xf32>,
      %scan3A_621 = arith.constant 0 : i32
      scf.yield %scan3A_621 : i32
    }
    %scan3A_474 = arith.constant 2048 : i32
    %add3A_475 = arith.constant 786432 : i32
    %add3A_476 = arith.addi %mul3A_2, %add3A_475 : i32
    %dma_start3A_477 = tpu.memref_slice %arg4[%add3A_476] : memref<33554432xf32, #tpu.memory_space<hbm>> -> memref<32768xf32, #tpu.memory_space<hbm>>
    %dma_start3A_478 = tpu.memref_slice %arg4[%add3A_476] : memref<33554432xf32, #tpu.memory_space<hbm>> -> memref<32768xf32, #tpu.memory_space<hbm>>
    tpu.enqueue_dma source(%arg5 : memref<32768xf32, #tpu.memory_space<vmem>>) target(%dma_start3A_478 : memref<32768xf32, #tpu.memory_space<hbm>>) target_semaphore(%arg10 : memref<!tpu.dma_semaphore, #tpu.memory_space<semaphore_mem>>)
    %dma_wait3A_479 = tpu.memref_slice %arg4[%add3A_476] : memref<33554432xf32, #tpu.memory_space<hbm>> -> memref<32768xf32, #tpu.memory_space<hbm>>
    %dma_wait3A_480 = tpu.memref_slice %arg4[%add3A_476] : memref<33554432xf32, #tpu.memory_space<hbm>> -> memref<32768xf32, #tpu.memory_space<hbm>>
    tpu.wait_dma2 semaphore(%arg10 : memref<!tpu.dma_semaphore, #tpu.memory_space<semaphore_mem>>) src(%arg5 : memref<32768xf32, #tpu.memory_space<vmem>>) dst(%dma_wait3A_480 : memref<32768xf32, #tpu.memory_space<hbm>>)
    %add3A_481 = arith.constant 851968 : i32
    %add3A_482 = arith.addi %mul3A_2, %add3A_481 : i32
    %dma_start3A_483 = tpu.memref_slice %arg2[%add3A_482] : memref<33554432xf32, #tpu.memory_space<hbm>> -> memref<32768xf32, #tpu.memory_space<hbm>>
    %dma_start3A_484 = tpu.memref_slice %arg2[%add3A_482] : memref<33554432xf32, #tpu.memory_space<hbm>> -> memref<32768xf32, #tpu.memory_space<hbm>>
    tpu.enqueue_dma source(%dma_start3A_484 : memref<32768xf32, #tpu.memory_space<hbm>>) target(%arg5 : memref<32768xf32, #tpu.memory_space<vmem>>) target_semaphore(%arg8 : memref<!tpu.dma_semaphore, #tpu.memory_space<semaphore_mem>>)
    %dma_wait3A_485 = tpu.memref_slice %arg2[%add3A_463] : memref<33554432xf32, #tpu.memory_space<hbm>> -> memref<32768xf32, #tpu.memory_space<hbm>>
    %dma_wait3A_486 = tpu.memref_slice %arg2[%add3A_463] : memref<33554432xf32, #tpu.memory_space<hbm>> -> memref<32768xf32, #tpu.memory_space<hbm>>
    tpu.wait_dma2 semaphore(%arg9 : memref<!tpu.dma_semaphore, #tpu.memory_space<semaphore_mem>>) src(%dma_wait3A_486 : memref<32768xf32, #tpu.memory_space<hbm>>) dst(%arg6 : memref<32768xf32, #tpu.memory_space<vmem>>)
    %scan3A_487 = arith.constant 0 : i32
    %scan3A_488 = arith.constant 0 : i32
    %scan3A_489 = arith.constant 2048 : i32
    %scan3A_490 = arith.addi %scan3A_488, %scan3A_489 : i32
    %scan3A_491 = arith.constant 1 : i32
    %scan3A_492 = scf.for %scan3A_610 = %scan3A_488 to %scan3A_490 step %scan3A_491 iter_args(%scan3A_611 = %scan3A_487) -> (i32)  : i32 {
      %mul3A_612 = arith.constant 16 : i32
      %mul3A_613 = arith.muli %scan3A_610, %mul3A_612 : i32
      %get3A_614 = arith.index_cast %mul3A_613 : i32 to index
      %get3A_615 = tpu.vector_load %arg6[%get3A_614] {strides = array<i32>} : memref<32768xf32, #tpu.memory_space<vmem>>, vector<16xf32>,
      %get3A_616 = vector.shape_cast %get3A_615 : vector<16xf32> to vector<16xf32>
      %mul3A_617 = arith.mulf %get3A_616, %div3A_6 : vector<16xf32>
      %swap3A = arith.index_cast %mul3A_613 : i32 to index
      %swap3A_618 = tpu.vector_load %arg6[%swap3A] {strides = array<i32>} : memref<32768xf32, #tpu.memory_space<vmem>>, vector<16xf32>,
      %swap3A_619 = vector.shape_cast %swap3A_618 : vector<16xf32> to vector<16xf32>
      %swap3A_620 = vector.shape_cast %mul3A_617 : vector<16xf32> to vector<16xf32>
      tpu.vector_store %arg6[%swap3A], %swap3A_620 {strides = array<i32>} : memref<32768xf32, #tpu.memory_space<vmem>>, vector<16xf32>,
      %scan3A_621 = arith.constant 0 : i32
      scf.yield %scan3A_621 : i32
    }
    %scan3A_493 = arith.constant 2048 : i32
    %add3A_494 = arith.constant 819200 : i32
    %add3A_495 = arith.addi %mul3A_2, %add3A_494 : i32
    %dma_start3A_496 = tpu.memref_slice %arg4[%add3A_495] : memref<33554432xf32, #tpu.memory_space<hbm>> -> memref<32768xf32, #tpu.memory_space<hbm>>
    %dma_start3A_497 = tpu.memref_slice %arg4[%add3A_495] : memref<33554432xf32, #tpu.memory_space<hbm>> -> memref<32768xf32, #tpu.memory_space<hbm>>
    tpu.enqueue_dma source(%arg6 : memref<32768xf32, #tpu.memory_space<vmem>>) target(%dma_start3A_497 : memref<32768xf32, #tpu.memory_space<hbm>>) target_semaphore(%arg11 : memref<!tpu.dma_semaphore, #tpu.memory_space<semaphore_mem>>)
    %dma_wait3A_498 = tpu.memref_slice %arg4[%add3A_495] : memref<33554432xf32, #tpu.memory_space<hbm>> -> memref<32768xf32, #tpu.memory_space<hbm>>
    %dma_wait3A_499 = tpu.memref_slice %arg4[%add3A_495] : memref<33554432xf32, #tpu.memory_space<hbm>> -> memref<32768xf32, #tpu.memory_space<hbm>>
    tpu.wait_dma2 semaphore(%arg11 : memref<!tpu.dma_semaphore, #tpu.memory_space<semaphore_mem>>) src(%arg6 : memref<32768xf32, #tpu.memory_space<vmem>>) dst(%dma_wait3A_499 : memref<32768xf32, #tpu.memory_space<hbm>>)
    %add3A_500 = arith.constant 884736 : i32
    %add3A_501 = arith.addi %mul3A_2, %add3A_500 : i32
    %dma_start3A_502 = tpu.memref_slice %arg2[%add3A_501] : memref<33554432xf32, #tpu.memory_space<hbm>> -> memref<32768xf32, #tpu.memory_space<hbm>>
    %dma_start3A_503 = tpu.memref_slice %arg2[%add3A_501] : memref<33554432xf32, #tpu.memory_space<hbm>> -> memref<32768xf32, #tpu.memory_space<hbm>>
    tpu.enqueue_dma source(%dma_start3A_503 : memref<32768xf32, #tpu.memory_space<hbm>>) target(%arg6 : memref<32768xf32, #tpu.memory_space<vmem>>) target_semaphore(%arg9 : memref<!tpu.dma_semaphore, #tpu.memory_space<semaphore_mem>>)
    %dma_wait3A_504 = tpu.memref_slice %arg2[%add3A_482] : memref<33554432xf32, #tpu.memory_space<hbm>> -> memref<32768xf32, #tpu.memory_space<hbm>>
    %dma_wait3A_505 = tpu.memref_slice %arg2[%add3A_482] : memref<33554432xf32, #tpu.memory_space<hbm>> -> memref<32768xf32, #tpu.memory_space<hbm>>
    tpu.wait_dma2 semaphore(%arg8 : memref<!tpu.dma_semaphore, #tpu.memory_space<semaphore_mem>>) src(%dma_wait3A_505 : memref<32768xf32, #tpu.memory_space<hbm>>) dst(%arg5 : memref<32768xf32, #tpu.memory_space<vmem>>)
    %scan3A_506 = arith.constant 0 : i32
    %scan3A_507 = arith.constant 0 : i32
    %scan3A_508 = arith.constant 2048 : i32
    %scan3A_509 = arith.addi %scan3A_507, %scan3A_508 : i32
    %scan3A_510 = arith.constant 1 : i32
    %scan3A_511 = scf.for %scan3A_610 = %scan3A_507 to %scan3A_509 step %scan3A_510 iter_args(%scan3A_611 = %scan3A_506) -> (i32)  : i32 {
      %mul3A_612 = arith.constant 16 : i32
      %mul3A_613 = arith.muli %scan3A_610, %mul3A_612 : i32
      %get3A_614 = arith.index_cast %mul3A_613 : i32 to index
      %get3A_615 = tpu.vector_load %arg5[%get3A_614] {strides = array<i32>} : memref<32768xf32, #tpu.memory_space<vmem>>, vector<16xf32>,
      %get3A_616 = vector.shape_cast %get3A_615 : vector<16xf32> to vector<16xf32>
      %mul3A_617 = arith.mulf %get3A_616, %div3A_6 : vector<16xf32>
      %swap3A = arith.index_cast %mul3A_613 : i32 to index
      %swap3A_618 = tpu.vector_load %arg5[%swap3A] {strides = array<i32>} : memref<32768xf32, #tpu.memory_space<vmem>>, vector<16xf32>,
      %swap3A_619 = vector.shape_cast %swap3A_618 : vector<16xf32> to vector<16xf32>
      %swap3A_620 = vector.shape_cast %mul3A_617 : vector<16xf32> to vector<16xf32>
      tpu.vector_store %arg5[%swap3A], %swap3A_620 {strides = array<i32>} : memref<32768xf32, #tpu.memory_space<vmem>>, vector<16xf32>,
      %scan3A_621 = arith.constant 0 : i32
      scf.yield %scan3A_621 : i32
    }
    %scan3A_512 = arith.constant 2048 : i32
    %add3A_513 = arith.constant 851968 : i32
    %add3A_514 = arith.addi %mul3A_2, %add3A_513 : i32
    %dma_start3A_515 = tpu.memref_slice %arg4[%add3A_514] : memref<33554432xf32, #tpu.memory_space<hbm>> -> memref<32768xf32, #tpu.memory_space<hbm>>
    %dma_start3A_516 = tpu.memref_slice %arg4[%add3A_514] : memref<33554432xf32, #tpu.memory_space<hbm>> -> memref<32768xf32, #tpu.memory_space<hbm>>
    tpu.enqueue_dma source(%arg5 : memref<32768xf32, #tpu.memory_space<vmem>>) target(%dma_start3A_516 : memref<32768xf32, #tpu.memory_space<hbm>>) target_semaphore(%arg10 : memref<!tpu.dma_semaphore, #tpu.memory_space<semaphore_mem>>)
    %dma_wait3A_517 = tpu.memref_slice %arg4[%add3A_514] : memref<33554432xf32, #tpu.memory_space<hbm>> -> memref<32768xf32, #tpu.memory_space<hbm>>
    %dma_wait3A_518 = tpu.memref_slice %arg4[%add3A_514] : memref<33554432xf32, #tpu.memory_space<hbm>> -> memref<32768xf32, #tpu.memory_space<hbm>>
    tpu.wait_dma2 semaphore(%arg10 : memref<!tpu.dma_semaphore, #tpu.memory_space<semaphore_mem>>) src(%arg5 : memref<32768xf32, #tpu.memory_space<vmem>>) dst(%dma_wait3A_518 : memref<32768xf32, #tpu.memory_space<hbm>>)
    %add3A_519 = arith.constant 917504 : i32
    %add3A_520 = arith.addi %mul3A_2, %add3A_519 : i32
    %dma_start3A_521 = tpu.memref_slice %arg2[%add3A_520] : memref<33554432xf32, #tpu.memory_space<hbm>> -> memref<32768xf32, #tpu.memory_space<hbm>>
    %dma_start3A_522 = tpu.memref_slice %arg2[%add3A_520] : memref<33554432xf32, #tpu.memory_space<hbm>> -> memref<32768xf32, #tpu.memory_space<hbm>>
    tpu.enqueue_dma source(%dma_start3A_522 : memref<32768xf32, #tpu.memory_space<hbm>>) target(%arg5 : memref<32768xf32, #tpu.memory_space<vmem>>) target_semaphore(%arg8 : memref<!tpu.dma_semaphore, #tpu.memory_space<semaphore_mem>>)
    %dma_wait3A_523 = tpu.memref_slice %arg2[%add3A_501] : memref<33554432xf32, #tpu.memory_space<hbm>> -> memref<32768xf32, #tpu.memory_space<hbm>>
    %dma_wait3A_524 = tpu.memref_slice %arg2[%add3A_501] : memref<33554432xf32, #tpu.memory_space<hbm>> -> memref<32768xf32, #tpu.memory_space<hbm>>
    tpu.wait_dma2 semaphore(%arg9 : memref<!tpu.dma_semaphore, #tpu.memory_space<semaphore_mem>>) src(%dma_wait3A_524 : memref<32768xf32, #tpu.memory_space<hbm>>) dst(%arg6 : memref<32768xf32, #tpu.memory_space<vmem>>)
    %scan3A_525 = arith.constant 0 : i32
    %scan3A_526 = arith.constant 0 : i32
    %scan3A_527 = arith.constant 2048 : i32
    %scan3A_528 = arith.addi %scan3A_526, %scan3A_527 : i32
    %scan3A_529 = arith.constant 1 : i32
    %scan3A_530 = scf.for %scan3A_610 = %scan3A_526 to %scan3A_528 step %scan3A_529 iter_args(%scan3A_611 = %scan3A_525) -> (i32)  : i32 {
      %mul3A_612 = arith.constant 16 : i32
      %mul3A_613 = arith.muli %scan3A_610, %mul3A_612 : i32
      %get3A_614 = arith.index_cast %mul3A_613 : i32 to index
      %get3A_615 = tpu.vector_load %arg6[%get3A_614] {strides = array<i32>} : memref<32768xf32, #tpu.memory_space<vmem>>, vector<16xf32>,
      %get3A_616 = vector.shape_cast %get3A_615 : vector<16xf32> to vector<16xf32>
      %mul3A_617 = arith.mulf %get3A_616, %div3A_6 : vector<16xf32>
      %swap3A = arith.index_cast %mul3A_613 : i32 to index
      %swap3A_618 = tpu.vector_load %arg6[%swap3A] {strides = array<i32>} : memref<32768xf32, #tpu.memory_space<vmem>>, vector<16xf32>,
      %swap3A_619 = vector.shape_cast %swap3A_618 : vector<16xf32> to vector<16xf32>
      %swap3A_620 = vector.shape_cast %mul3A_617 : vector<16xf32> to vector<16xf32>
      tpu.vector_store %arg6[%swap3A], %swap3A_620 {strides = array<i32>} : memref<32768xf32, #tpu.memory_space<vmem>>, vector<16xf32>,
      %scan3A_621 = arith.constant 0 : i32
      scf.yield %scan3A_621 : i32
    }
    %scan3A_531 = arith.constant 2048 : i32
    %add3A_532 = arith.constant 884736 : i32
    %add3A_533 = arith.addi %mul3A_2, %add3A_532 : i32
    %dma_start3A_534 = tpu.memref_slice %arg4[%add3A_533] : memref<33554432xf32, #tpu.memory_space<hbm>> -> memref<32768xf32, #tpu.memory_space<hbm>>
    %dma_start3A_535 = tpu.memref_slice %arg4[%add3A_533] : memref<33554432xf32, #tpu.memory_space<hbm>> -> memref<32768xf32, #tpu.memory_space<hbm>>
    tpu.enqueue_dma source(%arg6 : memref<32768xf32, #tpu.memory_space<vmem>>) target(%dma_start3A_535 : memref<32768xf32, #tpu.memory_space<hbm>>) target_semaphore(%arg11 : memref<!tpu.dma_semaphore, #tpu.memory_space<semaphore_mem>>)
    %dma_wait3A_536 = tpu.memref_slice %arg4[%add3A_533] : memref<33554432xf32, #tpu.memory_space<hbm>> -> memref<32768xf32, #tpu.memory_space<hbm>>
    %dma_wait3A_537 = tpu.memref_slice %arg4[%add3A_533] : memref<33554432xf32, #tpu.memory_space<hbm>> -> memref<32768xf32, #tpu.memory_space<hbm>>
    tpu.wait_dma2 semaphore(%arg11 : memref<!tpu.dma_semaphore, #tpu.memory_space<semaphore_mem>>) src(%arg6 : memref<32768xf32, #tpu.memory_space<vmem>>) dst(%dma_wait3A_537 : memref<32768xf32, #tpu.memory_space<hbm>>)
    %add3A_538 = arith.constant 950272 : i32
    %add3A_539 = arith.addi %mul3A_2, %add3A_538 : i32
    %dma_start3A_540 = tpu.memref_slice %arg2[%add3A_539] : memref<33554432xf32, #tpu.memory_space<hbm>> -> memref<32768xf32, #tpu.memory_space<hbm>>
    %dma_start3A_541 = tpu.memref_slice %arg2[%add3A_539] : memref<33554432xf32, #tpu.memory_space<hbm>> -> memref<32768xf32, #tpu.memory_space<hbm>>
    tpu.enqueue_dma source(%dma_start3A_541 : memref<32768xf32, #tpu.memory_space<hbm>>) target(%arg6 : memref<32768xf32, #tpu.memory_space<vmem>>) target_semaphore(%arg9 : memref<!tpu.dma_semaphore, #tpu.memory_space<semaphore_mem>>)
    %dma_wait3A_542 = tpu.memref_slice %arg2[%add3A_520] : memref<33554432xf32, #tpu.memory_space<hbm>> -> memref<32768xf32, #tpu.memory_space<hbm>>
    %dma_wait3A_543 = tpu.memref_slice %arg2[%add3A_520] : memref<33554432xf32, #tpu.memory_space<hbm>> -> memref<32768xf32, #tpu.memory_space<hbm>>
    tpu.wait_dma2 semaphore(%arg8 : memref<!tpu.dma_semaphore, #tpu.memory_space<semaphore_mem>>) src(%dma_wait3A_543 : memref<32768xf32, #tpu.memory_space<hbm>>) dst(%arg5 : memref<32768xf32, #tpu.memory_space<vmem>>)
    %scan3A_544 = arith.constant 0 : i32
    %scan3A_545 = arith.constant 0 : i32
    %scan3A_546 = arith.constant 2048 : i32
    %scan3A_547 = arith.addi %scan3A_545, %scan3A_546 : i32
    %scan3A_548 = arith.constant 1 : i32
    %scan3A_549 = scf.for %scan3A_610 = %scan3A_545 to %scan3A_547 step %scan3A_548 iter_args(%scan3A_611 = %scan3A_544) -> (i32)  : i32 {
      %mul3A_612 = arith.constant 16 : i32
      %mul3A_613 = arith.muli %scan3A_610, %mul3A_612 : i32
      %get3A_614 = arith.index_cast %mul3A_613 : i32 to index
      %get3A_615 = tpu.vector_load %arg5[%get3A_614] {strides = array<i32>} : memref<32768xf32, #tpu.memory_space<vmem>>, vector<16xf32>,
      %get3A_616 = vector.shape_cast %get3A_615 : vector<16xf32> to vector<16xf32>
      %mul3A_617 = arith.mulf %get3A_616, %div3A_6 : vector<16xf32>
      %swap3A = arith.index_cast %mul3A_613 : i32 to index
      %swap3A_618 = tpu.vector_load %arg5[%swap3A] {strides = array<i32>} : memref<32768xf32, #tpu.memory_space<vmem>>, vector<16xf32>,
      %swap3A_619 = vector.shape_cast %swap3A_618 : vector<16xf32> to vector<16xf32>
      %swap3A_620 = vector.shape_cast %mul3A_617 : vector<16xf32> to vector<16xf32>
      tpu.vector_store %arg5[%swap3A], %swap3A_620 {strides = array<i32>} : memref<32768xf32, #tpu.memory_space<vmem>>, vector<16xf32>,
      %scan3A_621 = arith.constant 0 : i32
      scf.yield %scan3A_621 : i32
    }
    %scan3A_550 = arith.constant 2048 : i32
    %add3A_551 = arith.constant 917504 : i32
    %add3A_552 = arith.addi %mul3A_2, %add3A_551 : i32
    %dma_start3A_553 = tpu.memref_slice %arg4[%add3A_552] : memref<33554432xf32, #tpu.memory_space<hbm>> -> memref<32768xf32, #tpu.memory_space<hbm>>
    %dma_start3A_554 = tpu.memref_slice %arg4[%add3A_552] : memref<33554432xf32, #tpu.memory_space<hbm>> -> memref<32768xf32, #tpu.memory_space<hbm>>
    tpu.enqueue_dma source(%arg5 : memref<32768xf32, #tpu.memory_space<vmem>>) target(%dma_start3A_554 : memref<32768xf32, #tpu.memory_space<hbm>>) target_semaphore(%arg10 : memref<!tpu.dma_semaphore, #tpu.memory_space<semaphore_mem>>)
    %dma_wait3A_555 = tpu.memref_slice %arg4[%add3A_552] : memref<33554432xf32, #tpu.memory_space<hbm>> -> memref<32768xf32, #tpu.memory_space<hbm>>
    %dma_wait3A_556 = tpu.memref_slice %arg4[%add3A_552] : memref<33554432xf32, #tpu.memory_space<hbm>> -> memref<32768xf32, #tpu.memory_space<hbm>>
    tpu.wait_dma2 semaphore(%arg10 : memref<!tpu.dma_semaphore, #tpu.memory_space<semaphore_mem>>) src(%arg5 : memref<32768xf32, #tpu.memory_space<vmem>>) dst(%dma_wait3A_556 : memref<32768xf32, #tpu.memory_space<hbm>>)
    %add3A_557 = arith.constant 983040 : i32
    %add3A_558 = arith.addi %mul3A_2, %add3A_557 : i32
    %dma_start3A_559 = tpu.memref_slice %arg2[%add3A_558] : memref<33554432xf32, #tpu.memory_space<hbm>> -> memref<32768xf32, #tpu.memory_space<hbm>>
    %dma_start3A_560 = tpu.memref_slice %arg2[%add3A_558] : memref<33554432xf32, #tpu.memory_space<hbm>> -> memref<32768xf32, #tpu.memory_space<hbm>>
    tpu.enqueue_dma source(%dma_start3A_560 : memref<32768xf32, #tpu.memory_space<hbm>>) target(%arg5 : memref<32768xf32, #tpu.memory_space<vmem>>) target_semaphore(%arg8 : memref<!tpu.dma_semaphore, #tpu.memory_space<semaphore_mem>>)
    %dma_wait3A_561 = tpu.memref_slice %arg2[%add3A_539] : memref<33554432xf32, #tpu.memory_space<hbm>> -> memref<32768xf32, #tpu.memory_space<hbm>>
    %dma_wait3A_562 = tpu.memref_slice %arg2[%add3A_539] : memref<33554432xf32, #tpu.memory_space<hbm>> -> memref<32768xf32, #tpu.memory_space<hbm>>
    tpu.wait_dma2 semaphore(%arg9 : memref<!tpu.dma_semaphore, #tpu.memory_space<semaphore_mem>>) src(%dma_wait3A_562 : memref<32768xf32, #tpu.memory_space<hbm>>) dst(%arg6 : memref<32768xf32, #tpu.memory_space<vmem>>)
    %scan3A_563 = arith.constant 0 : i32
    %scan3A_564 = arith.constant 0 : i32
    %scan3A_565 = arith.constant 2048 : i32
    %scan3A_566 = arith.addi %scan3A_564, %scan3A_565 : i32
    %scan3A_567 = arith.constant 1 : i32
    %scan3A_568 = scf.for %scan3A_610 = %scan3A_564 to %scan3A_566 step %scan3A_567 iter_args(%scan3A_611 = %scan3A_563) -> (i32)  : i32 {
      %mul3A_612 = arith.constant 16 : i32
      %mul3A_613 = arith.muli %scan3A_610, %mul3A_612 : i32
      %get3A_614 = arith.index_cast %mul3A_613 : i32 to index
      %get3A_615 = tpu.vector_load %arg6[%get3A_614] {strides = array<i32>} : memref<32768xf32, #tpu.memory_space<vmem>>, vector<16xf32>,
      %get3A_616 = vector.shape_cast %get3A_615 : vector<16xf32> to vector<16xf32>
      %mul3A_617 = arith.mulf %get3A_616, %div3A_6 : vector<16xf32>
      %swap3A = arith.index_cast %mul3A_613 : i32 to index
      %swap3A_618 = tpu.vector_load %arg6[%swap3A] {strides = array<i32>} : memref<32768xf32, #tpu.memory_space<vmem>>, vector<16xf32>,
      %swap3A_619 = vector.shape_cast %swap3A_618 : vector<16xf32> to vector<16xf32>
      %swap3A_620 = vector.shape_cast %mul3A_617 : vector<16xf32> to vector<16xf32>
      tpu.vector_store %arg6[%swap3A], %swap3A_620 {strides = array<i32>} : memref<32768xf32, #tpu.memory_space<vmem>>, vector<16xf32>,
      %scan3A_621 = arith.constant 0 : i32
      scf.yield %scan3A_621 : i32
    }
    %scan3A_569 = arith.constant 2048 : i32
    %add3A_570 = arith.constant 950272 : i32
    %add3A_571 = arith.addi %mul3A_2, %add3A_570 : i32
    %dma_start3A_572 = tpu.memref_slice %arg4[%add3A_571] : memref<33554432xf32, #tpu.memory_space<hbm>> -> memref<32768xf32, #tpu.memory_space<hbm>>
    %dma_start3A_573 = tpu.memref_slice %arg4[%add3A_571] : memref<33554432xf32, #tpu.memory_space<hbm>> -> memref<32768xf32, #tpu.memory_space<hbm>>
    tpu.enqueue_dma source(%arg6 : memref<32768xf32, #tpu.memory_space<vmem>>) target(%dma_start3A_573 : memref<32768xf32, #tpu.memory_space<hbm>>) target_semaphore(%arg11 : memref<!tpu.dma_semaphore, #tpu.memory_space<semaphore_mem>>)
    %dma_wait3A_574 = tpu.memref_slice %arg4[%add3A_571] : memref<33554432xf32, #tpu.memory_space<hbm>> -> memref<32768xf32, #tpu.memory_space<hbm>>
    %dma_wait3A_575 = tpu.memref_slice %arg4[%add3A_571] : memref<33554432xf32, #tpu.memory_space<hbm>> -> memref<32768xf32, #tpu.memory_space<hbm>>
    tpu.wait_dma2 semaphore(%arg11 : memref<!tpu.dma_semaphore, #tpu.memory_space<semaphore_mem>>) src(%arg6 : memref<32768xf32, #tpu.memory_space<vmem>>) dst(%dma_wait3A_575 : memref<32768xf32, #tpu.memory_space<hbm>>)
    %add3A_576 = arith.constant 1015808 : i32
    %add3A_577 = arith.addi %mul3A_2, %add3A_576 : i32
    %dma_start3A_578 = tpu.memref_slice %arg2[%add3A_577] : memref<33554432xf32, #tpu.memory_space<hbm>> -> memref<32768xf32, #tpu.memory_space<hbm>>
    %dma_start3A_579 = tpu.memref_slice %arg2[%add3A_577] : memref<33554432xf32, #tpu.memory_space<hbm>> -> memref<32768xf32, #tpu.memory_space<hbm>>
    tpu.enqueue_dma source(%dma_start3A_579 : memref<32768xf32, #tpu.memory_space<hbm>>) target(%arg6 : memref<32768xf32, #tpu.memory_space<vmem>>) target_semaphore(%arg9 : memref<!tpu.dma_semaphore, #tpu.memory_space<semaphore_mem>>)
    %dma_wait3A_580 = tpu.memref_slice %arg2[%add3A_558] : memref<33554432xf32, #tpu.memory_space<hbm>> -> memref<32768xf32, #tpu.memory_space<hbm>>
    %dma_wait3A_581 = tpu.memref_slice %arg2[%add3A_558] : memref<33554432xf32, #tpu.memory_space<hbm>> -> memref<32768xf32, #tpu.memory_space<hbm>>
    tpu.wait_dma2 semaphore(%arg8 : memref<!tpu.dma_semaphore, #tpu.memory_space<semaphore_mem>>) src(%dma_wait3A_581 : memref<32768xf32, #tpu.memory_space<hbm>>) dst(%arg5 : memref<32768xf32, #tpu.memory_space<vmem>>)
    %scan3A_582 = arith.constant 0 : i32
    %scan3A_583 = arith.constant 0 : i32
    %scan3A_584 = arith.constant 2048 : i32
    %scan3A_585 = arith.addi %scan3A_583, %scan3A_584 : i32
    %scan3A_586 = arith.constant 1 : i32
    %scan3A_587 = scf.for %scan3A_610 = %scan3A_583 to %scan3A_585 step %scan3A_586 iter_args(%scan3A_611 = %scan3A_582) -> (i32)  : i32 {
      %mul3A_612 = arith.constant 16 : i32
      %mul3A_613 = arith.muli %scan3A_610, %mul3A_612 : i32
      %get3A_614 = arith.index_cast %mul3A_613 : i32 to index
      %get3A_615 = tpu.vector_load %arg5[%get3A_614] {strides = array<i32>} : memref<32768xf32, #tpu.memory_space<vmem>>, vector<16xf32>,
      %get3A_616 = vector.shape_cast %get3A_615 : vector<16xf32> to vector<16xf32>
      %mul3A_617 = arith.mulf %get3A_616, %div3A_6 : vector<16xf32>
      %swap3A = arith.index_cast %mul3A_613 : i32 to index
      %swap3A_618 = tpu.vector_load %arg5[%swap3A] {strides = array<i32>} : memref<32768xf32, #tpu.memory_space<vmem>>, vector<16xf32>,
      %swap3A_619 = vector.shape_cast %swap3A_618 : vector<16xf32> to vector<16xf32>
      %swap3A_620 = vector.shape_cast %mul3A_617 : vector<16xf32> to vector<16xf32>
      tpu.vector_store %arg5[%swap3A], %swap3A_620 {strides = array<i32>} : memref<32768xf32, #tpu.memory_space<vmem>>, vector<16xf32>,
      %scan3A_621 = arith.constant 0 : i32
      scf.yield %scan3A_621 : i32
    }
    %scan3A_588 = arith.constant 2048 : i32
    %add3A_589 = arith.constant 983040 : i32
    %add3A_590 = arith.addi %mul3A_2, %add3A_589 : i32
    %dma_start3A_591 = tpu.memref_slice %arg4[%add3A_590] : memref<33554432xf32, #tpu.memory_space<hbm>> -> memref<32768xf32, #tpu.memory_space<hbm>>
    %dma_start3A_592 = tpu.memref_slice %arg4[%add3A_590] : memref<33554432xf32, #tpu.memory_space<hbm>> -> memref<32768xf32, #tpu.memory_space<hbm>>
    tpu.enqueue_dma source(%arg5 : memref<32768xf32, #tpu.memory_space<vmem>>) target(%dma_start3A_592 : memref<32768xf32, #tpu.memory_space<hbm>>) target_semaphore(%arg10 : memref<!tpu.dma_semaphore, #tpu.memory_space<semaphore_mem>>)
    %dma_wait3A_593 = tpu.memref_slice %arg2[%add3A_577] : memref<33554432xf32, #tpu.memory_space<hbm>> -> memref<32768xf32, #tpu.memory_space<hbm>>
    %dma_wait3A_594 = tpu.memref_slice %arg2[%add3A_577] : memref<33554432xf32, #tpu.memory_space<hbm>> -> memref<32768xf32, #tpu.memory_space<hbm>>
    tpu.wait_dma2 semaphore(%arg9 : memref<!tpu.dma_semaphore, #tpu.memory_space<semaphore_mem>>) src(%dma_wait3A_594 : memref<32768xf32, #tpu.memory_space<hbm>>) dst(%arg6 : memref<32768xf32, #tpu.memory_space<vmem>>)
    %scan3A_595 = arith.constant 0 : i32
    %scan3A_596 = arith.constant 0 : i32
    %scan3A_597 = arith.constant 2048 : i32
    %scan3A_598 = arith.addi %scan3A_596, %scan3A_597 : i32
    %scan3A_599 = arith.constant 1 : i32
    %scan3A_600 = scf.for %scan3A_610 = %scan3A_596 to %scan3A_598 step %scan3A_599 iter_args(%scan3A_611 = %scan3A_595) -> (i32)  : i32 {
      %mul3A_612 = arith.constant 16 : i32
      %mul3A_613 = arith.muli %scan3A_610, %mul3A_612 : i32
      %get3A_614 = arith.index_cast %mul3A_613 : i32 to index
      %get3A_615 = tpu.vector_load %arg6[%get3A_614] {strides = array<i32>} : memref<32768xf32, #tpu.memory_space<vmem>>, vector<16xf32>,
      %get3A_616 = vector.shape_cast %get3A_615 : vector<16xf32> to vector<16xf32>
      %mul3A_617 = arith.mulf %get3A_616, %div3A_6 : vector<16xf32>
      %swap3A = arith.index_cast %mul3A_613 : i32 to index
      %swap3A_618 = tpu.vector_load %arg6[%swap3A] {strides = array<i32>} : memref<32768xf32, #tpu.memory_space<vmem>>, vector<16xf32>,
      %swap3A_619 = vector.shape_cast %swap3A_618 : vector<16xf32> to vector<16xf32>
      %swap3A_620 = vector.shape_cast %mul3A_617 : vector<16xf32> to vector<16xf32>
      tpu.vector_store %arg6[%swap3A], %swap3A_620 {strides = array<i32>} : memref<32768xf32, #tpu.memory_space<vmem>>, vector<16xf32>,
      %scan3A_621 = arith.constant 0 : i32
      scf.yield %scan3A_621 : i32
    }
    %scan3A_601 = arith.constant 2048 : i32
    %add3A_602 = arith.constant 1015808 : i32
    %add3A_603 = arith.addi %mul3A_2, %add3A_602 : i32
    %dma_start3A_604 = tpu.memref_slice %arg4[%add3A_603] : memref<33554432xf32, #tpu.memory_space<hbm>> -> memref<32768xf32, #tpu.memory_space<hbm>>
    %dma_start3A_605 = tpu.memref_slice %arg4[%add3A_603] : memref<33554432xf32, #tpu.memory_space<hbm>> -> memref<32768xf32, #tpu.memory_space<hbm>>
    tpu.enqueue_dma source(%arg6 : memref<32768xf32, #tpu.memory_space<vmem>>) target(%dma_start3A_605 : memref<32768xf32, #tpu.memory_space<hbm>>) target_semaphore(%arg11 : memref<!tpu.dma_semaphore, #tpu.memory_space<semaphore_mem>>)
    %dma_wait3A_606 = tpu.memref_slice %arg4[%add3A_590] : memref<33554432xf32, #tpu.memory_space<hbm>> -> memref<32768xf32, #tpu.memory_space<hbm>>
    %dma_wait3A_607 = tpu.memref_slice %arg4[%add3A_590] : memref<33554432xf32, #tpu.memory_space<hbm>> -> memref<32768xf32, #tpu.memory_space<hbm>>
    tpu.wait_dma2 semaphore(%arg10 : memref<!tpu.dma_semaphore, #tpu.memory_space<semaphore_mem>>) src(%arg5 : memref<32768xf32, #tpu.memory_space<vmem>>) dst(%dma_wait3A_607 : memref<32768xf32, #tpu.memory_space<hbm>>)
    %dma_wait3A_608 = tpu.memref_slice %arg4[%add3A_603] : memref<33554432xf32, #tpu.memory_space<hbm>> -> memref<32768xf32, #tpu.memory_space<hbm>>
    %dma_wait3A_609 = tpu.memref_slice %arg4[%add3A_603] : memref<33554432xf32, #tpu.memory_space<hbm>> -> memref<32768xf32, #tpu.memory_space<hbm>>
    tpu.wait_dma2 semaphore(%arg11 : memref<!tpu.dma_semaphore, #tpu.memory_space<semaphore_mem>>) src(%arg6 : memref<32768xf32, #tpu.memory_space<vmem>>) dst(%dma_wait3A_609 : memref<32768xf32, #tpu.memory_space<hbm>>)
    return
  }
}

</mosaic_0001>

<sc_bundles>
// kernel: _scale_sc.3.cloned.1.call-start
scs
__scs_entry_jumppad:
0x0: {  	(pc) =	sbr.rel $0x88, $3  }
0x1: {  	(tag) =	ssettag $0x0;
	lr =	simm.s32 $0x1  }
0x2: {  	[smem:$0x3F9F] =	sst lr;
	_ =	strace $0xD0000000  }
0x3: {  	_ = 	snop  }
0x4: {  	_ = 	snop  }
0x5: {  	_ = 	snop  }
0x6: {  	_ = 	snop  }
0x7: {  	_ = 	snop  }
__scs_overlays_trampoline_lowered:
0x8: {  	[smem:$0x3FAE] =	sst s0  }
0x9: {  	[smem:$0x3FAF] =	sst s1  }
0xa: {  	[smem:$0x3FB0] =	sst s2  }
0xb: {  	[smem:$0x3FB1] =	sst s3  }
0xc: {  	[smem:$0x3FB2] =	sst s4  }
0xd: {  	[smem:$0x3FB3] =	sst s5  }
0xe: {  	[smem:$0x3FB4] =	sst s6  }
0xf: {  	[smem:$0x3FB5] =	sst s7  }
0x10: {  	[smem:$0x3FB6] =	sst s8  }
0x11: {  	[smem:$0x3FB7] =	sst s9;
	s0 =	simm.s32 @!p0 $0x0  }
0x12: {  	s1 =	sld [smem:$0x3F9D];
	s0 =	simm.s32 @p0 $0x1  }
0x13: {  	[smem:$0x3FB8] =	sst s0;
	s0 =	simm.s32 @!p1 $0x0  }
0x14: {  	s2 =	sld [smem:$0x3F9C];
	s0 =	simm.s32 @p1 $0x1  }
0x15: {  	[smem:$0x3FB9] =	sst s0;
	s0 =	simm.s32 @!p2 $0x0  }
0x16: {  	s3 =	sld [smem:$0x3FDB];
	s0 =	simm.s32 @p2 $0x1  }
0x17: {  	s4 =	simm.s32 $0x1BF5;
	[smem:$0x3FBB] =	sst s0  }
0x18: {  	s0 =	sld [smem:$0x3F9E];
	_ =	swait.ge [sflag:s4], $0x0  }
0x19: {  	s7 =	sld [smem:$0x3F9F]  }
0x1a: {  	s8 =	sadd.s32 $0xFFFFE003, lr  }
0x1b: {  	s9 =	sadd.s32 $0xFFFFFEF7, lr;
	s5 =	simm.s32 $0xFFFFFFFF;
	p2 =	slt.u32 s8, $0xFFFFF086  }
0x1c: {  	p1 =	slt.u32 s9, $0xF7A;
	s5 =	simm.s32 @!p2 $0x0  }
0x1d: {  	s5 =	simm.s32 @p1 $0x1;
	p0 =	seq.s32 s7, s2  }
0x1e: {  	s7 =	smul.u32 @!p0 $0xF7A, s2;
	p2 =	seq.s32 @!p0 s5, $0x0  }
0x1f: {  	s9 =	smul.u32 $0xF7A, s1;
	s8 =	simm.s32 @!p0 $0x1BF5;
	p2 =	por !p2, p0  }
0x20: {  	[sflag:s8] =	ssyncset.s32 @!p0 $0xFFFFF086;
	s6 =	sadd.s32 @!p0 s3, s7;
	s7 =	simm.s32 @!p0 $0x108  }
0x21: {  	s3 =	sadd.s32 s3, s9;
	s6 =	sadd.s32 @!p0 $0x88, s6;
	s7 =	simm.s32 @p2 $0x1082  }
0x22: {  	[simem:s7], [sflag:s8] =	dma.local @!p0 [hbm:s6], $0xF7A  }
0x23: {  	s9 =	sor.u32 $0xD0000000, s2;
	s6 =	simm.s32 $0x108;
	_ =	swait.ge @!p0 [sflag:s8], $0x0  }
0x24: {  	s3 =	sadd.s32 $0x88, s3;
	s6 =	simm.s32 @!p1 $0x1082;
	[sflag:s4] =	ssyncset.s32 $0xFFFFF086  }
0x25: {  	[simem:s6], [sflag:s4] =	dma.local [hbm:s3], $0xF7A  }
0x26: {  	[smem:$0x3F9F] =	sst s1;
	(tag) =	ssettag s2;
	_ =	strace s9  }
0x27: {  	s1 =	sld [smem:$0x3FAF]  }
0x28: {  	s2 =	sld [smem:$0x3FB0]  }
0x29: {  	s4 =	sld [smem:$0x3FB2]  }
0x2a: {  	p0 =	seq.s32 s5, $0x0;
	s5 =	sld [smem:$0x3FB3]  }
0x2b: {  	s6 =	sld [smem:$0x3FB4]  }
0x2c: {  	s7 =	sld [smem:$0x3FB5]  }
0x2d: {  	s3 =	simm.s32 $0x108;
	s8 =	sld [smem:$0x3FB6]  }
0x2e: {  	s3 =	simm.s32 @!p0 $0x1082;
	s9 =	sld [smem:$0x3FB7]  }
0x2f: {  	lr =	sadd.s32 s0, s3;
	s0 =	sld [smem:$0x3FAE]  }
0x30: {  	s3 =	sld [smem:$0x3FB1]  }
0x31: {  	[smem:$0x3FBA] =	sst s10  }
0x32: {  	s10 =	sld [smem:$0x3FB8];
	_ =	sdelay $0x3  }
0x33: {  	p0 =	seq.s32 s10, $0x1;
	s10 =	sld [smem:$0x3FBA];
	_ =	sdelay $0x3  }
0x34: {  	[smem:$0x3FBA] =	sst s10  }
0x35: {  	s10 =	sld [smem:$0x3FB9];
	_ =	sdelay $0x3  }
0x36: {  	p1 =	seq.s32 s10, $0x1;
	s10 =	sld [smem:$0x3FBA];
	_ =	sdelay $0x3  }
0x37: {  	[smem:$0x3FBA] =	sst s10  }
0x38: {  	s10 =	sld [smem:$0x3FBB]  }
0x39: {  	_ = 	snop;
	(pc) =	sbr.ind lr, $3  }
0x3a: {  	_ = 	snop  }
0x3b: {  	_ = 	snop  }
0x3c: {  	p2 =	seq.s32 s10, $0x1;
	s10 =	sld [smem:$0x3FBA]  }
0x3d: {  	_ =	shalt  }
0x3e: {  	_ =	shalt  }
0x3f: {  	_ =	shalt  }
0x40: {  	_ =	shalt  }
0x41: {  	_ =	shalt  }
0x42: {  	_ =	shalt  }
0x43: {  	_ =	shalt  }
0x44: {  	_ =	shalt  }
0x45: {  	_ =	shalt  }
0x46: {  	_ =	shalt  }
0x47: {  	_ =	shalt  }
0x48: {  	_ =	shalt  }
0x49: {  	_ =	shalt  }
0x4a: {  	_ =	shalt  }
0x4b: {  	_ =	shalt  }
0x4c: {  	_ =	shalt  }
0x4d: {  	_ =	shalt  }
0x4e: {  	_ =	shalt  }
0x4f: {  	_ =	shalt  }
0x50: {  	_ =	shalt  }
0x51: {  	_ =	shalt  }
0x52: {  	_ =	shalt  }
0x53: {  	_ =	shalt  }
0x54: {  	_ =	shalt  }
0x55: {  	_ =	shalt  }
0x56: {  	_ =	shalt  }
0x57: {  	_ =	shalt  }
0x58: {  	_ =	shalt  }
0x59: {  	_ =	shalt  }
0x5a: {  	_ =	shalt  }
0x5b: {  	_ =	shalt  }
0x5c: {  	_ =	shalt  }
0x5d: {  	_ =	shalt  }
0x5e: {  	_ =	shalt  }
0x5f: {  	_ =	shalt  }
0x60: {  	_ =	shalt  }
0x61: {  	_ =	shalt  }
0x62: {  	_ =	shalt  }
0x63: {  	_ =	shalt  }
0x64: {  	_ =	shalt  }
0x65: {  	_ =	shalt  }
0x66: {  	_ =	shalt  }
0x67: {  	_ =	shalt  }
0x68: {  	_ =	shalt  }
0x69: {  	_ =	shalt  }
0x6a: {  	_ =	shalt  }
0x6b: {  	_ =	shalt  }
0x6c: {  	_ =	shalt  }
0x6d: {  	_ =	shalt  }
0x6e: {  	_ =	shalt  }
0x6f: {  	_ =	shalt  }
0x70: {  	_ =	shalt  }
0x71: {  	_ =	shalt  }
0x72: {  	_ =	shalt  }
0x73: {  	_ =	shalt  }
0x74: {  	_ =	shalt  }
0x75: {  	_ =	shalt  }
0x76: {  	_ =	shalt  }
0x77: {  	_ =	shalt  }
0x78: {  	_ =	shalt  }
0x79: {  	_ =	shalt  }
0x7a: {  	_ =	shalt  }
0x7b: {  	_ =	shalt  }
0x7c: {  	_ =	shalt  }
0x7d: {  	_ =	shalt  }
0x7e: {  	_ =	shalt  }
0x7f: {  	_ =	shalt  }
0x80: {  	_ =	shalt  }
0x81: {  	_ =	shalt  }
0x82: {  	_ =	shalt  }
0x83: {  	_ =	shalt  }
0x84: {  	_ =	shalt  }
0x85: {  	_ =	shalt  }
0x86: {  	_ =	shalt  }
0x87: {  	_ =	shalt  }
.Lfunc_end0:
.L_simem_size_0:
called_computation_lowered:
.L_overlay_start_0:
0x88: {  	s2 =	sld [smem:$0x3FD9]  }
0x89: {  	s3 =	sld [smem:$0x3FFE];
	_ =	sdelay $0x1  }
0x8a: {  	s1 =	srdreg.scid  }
0x8b: {  	s0 =	sand.u32 $0x1, s1  }
0x8c: {  	s18 =	sshll.u32 s0, $0xA;
	s2 =	sadd.s32 s3, s2  }
0x8d: {  	s2 =	sadd.s32 s2, s18  }
0x8e: {  	[smem:$0x3FC6] =	sst s2  }
0x8f: {  	_ = 	snop  }
0x90: {  	s2 =	sld [smem:$0x3FC9]  }
0x91: {  	s19 =	sld [smem:$0x3FC8]  }
0x92: {  	s4 =	sld [smem:$0x3FD0];
	(tm) =	ssettm $0x1  }
0x93: {  	s5 =	sld [smem:$0x3FFB];
	_ =	sdelay $0x3  }
0x94: {  	_ =	strace s5  }
0x95: {  	s5 =	sld [smem:$0x3FFC];
	_ =	sdelay $0x3  }
0x96: {  	_ =	strace s5  }
0x97: {  	s5 =	sld [smem:$0x3FFD];
	_ =	sdelay $0x3  }
0x98: {  	_ =	strace s5  }
0x99: {  	_ =	strace $0x8FFFFFFF  }
0x9a: {  	s20 =	sld [smem:$0x3FDB];
	_ =	sdelay $0x1  }
0x9b: {  	s6 =	simm.s32 $_scs_section_size  }
0x9c: {  	s7 =	simm.s32 $_size__tile_overlayer_lowered;
	s8 =	simm.s32 $_tile_overlayer_lowered  }
0x9d: {  	s23 =	simm.s32 $0x1BFF;
	s22 =	sshll.u32 s8, $0x1;
	s5 =	sadd.s32 s6, s20  }
0x9e: {  	s9 =	simm.s32 $0x0;
	s21 =	sshll.u32 s7, $0x1;
	s7 =	sadd.s32 s22, s5  }
0x9f: {  	[timem:s9], [sflag:s23] =	dma.local [hbm:s7], s21  }
0xa0: {  	_ =	swait.ge [sflag:s23], s21  }
0xa1: {  	s6 =	ssub.s32 $0x0, s21;
	[sflag:s23] =	ssyncset.done $0x0  }
0xa2: {  	[sflag:s23] =	ssyncadd.s32 s6;
	_ =	sdelay $0x1  }
0xa3: {  	s24 =	simm.s32 $0x1B8B  }
0xa4: {  	_ =	swait.ge [sflag:s24], $0x1  }
0xa5: {  	[sflag:s24] =	ssyncset.done $0x0  }
0xa6: {  	s25 =	simm.s32 $0x1B8E;
	[sflag:s24] =	ssyncadd.s32 $0xFFFFFFFF  }
0xa7: {  	s26 =	simm.s32 $execute0_lowered;
	[smem:$0x3FD2] =	sst s25  }
0xa8: {  	s6 =	sshll.u32 s26, $0x1;
	_ =	strace $0x80000046;
	[dreg:$0x1] =	wrdreg $0xFFFFFFFF  }
0xa9: {  	s28 =	simm.s32 $_size_execute0_lowered;
	s5 =	sadd.s32 s5, s6;
	[dreg:$0x0] =	wrdreg $0x0  }
0xaa: {  	s6 =	sshll.u32 s28, $0x1;
	[dreg:$0x2] =	wrdreg s5  }
0xab: {  	[dreg:$0x3] =	wrdreg s6  }
0xac: {  	[dreg:$0x4] =	wrdreg $0xC0  }
0xad: {  	_ =	task [dreg:s9], $0x5FFFF  }
0xae: {  	[dreg:$0x1] =	wrdreg $0xFFFFFFFF  }
0xaf: {  	[dreg:$0x0] =	wrdreg $0x60  }
0xb0: {  	[dreg:$0x2] =	wrdreg s2  }
0xb1: {  	[dreg:$0x3] =	wrdreg s19  }
0xb2: {  	[dreg:$0x4] =	wrdreg s4  }
0xb3: {  	[dreg:$0x5] =	wrdreg $0x9  }
0xb4: {  	_ =	task.clear_ibuf [dreg:s9], $0x6FFFF;
	_ =	strace $0x90000046  }
0xb5: {  	s29 =	simm.s32 $0x9;
	_ =	strace $0x80000048  }
0xb6: {  	_ =	swait.ge [sflag:s29], $0x1  }
0xb7: {  	[sflag:s29] =	ssyncadd.s32 $0xFFFFFFFF  }
0xb8: {  	_ =	strace $0x90000048  }
0xb9: {  	_ =	sfence  }
0xba: {  	s30 =	sld [smem:$0x0];
	_ =	sdelay $0x2  }
0xbb: {  	s31 =	sshll.u32 s1, $0xD;
	s1 =	sshrl.u32 s1, $0x2  }
0xbc: {  	s3 =	sand.u32 $0x4000, s31;
	s1 =	sadd.s32 s1, s30  }
0xbd: {  	s0 =	sor.u32 s3, s0;
	s1 =	sshll.u32 s1, $0x11  }
0xbe: {  	s0 =	sor.u32 s1, s0  }
0xbf: {  	s0 =	sadd.s32 $0x8F2B, s0  }
0xc0: {  	[sflag:s0] =	ssyncadd.remote.s32 $0x1  }
0xc1: {  	_ =	sfence.sel $0xFFFF  }
0xc2: {  	[dreg:$0x0] =	wrdreg $0xFFFFFFFF;
	(pc) =	sbr.abs _section_cstart, $3  }
0xc3: {  	[dreg:$0x1] =	wrdreg $0xFFFFFFFF  }
0xc4: {  	_ =	task.clear_ibuf [dreg:s9], $0x2FFFF;
	_ =	strace $0x9FFFFFFF  }
0xc5: {  	(tm) =	ssettm $0x7FFFFFFF  }
tec
execute0_lowered:
.L_overlay_start_1:
0x0: {  	(tag) =	ssettag $0x1  }
0x1: {  	s0 =	srdreg.scid  }
0x2: {  	s2 =	stileid.u32;
	s0 =	sand.u32 $0x1, s0  }
0x3: {  	s2 =	sshll.u32 s2, $0x12;
	s4 =	ssub.s32 $0x2, s0;
	s0 =	sshll.u32 s0, $0x11  }
0x4: {  	s3 =	rddreg [dreg:$0x0];
	s2 =	sor.u32 s0, s2  }
0x5: {  	s5 =	rddreg [dreg:$0x2];
	s1 =	simm.s32 $0x0;
	s0 =	sor.u32 $0x1000, s2  }
0x6: {  	[smem:$0x7FF] =	sst s1;
	s15 =	sor.u32 $0x2000, s2;
	s7 =	sadd.s32 s3, s0  }
0x7: {  	s6 =	sshrl.u32 s4, $0x1;
	s16 =	sadd.s32 s3, s15;
	[dreg:$0x4] =	wrdreg s7  }
0x8: {  	s17 =	sor.u32 $0x3000, s2;
	s0 =	sadd.s32 s5, s0;
	[dreg:$0x5] =	wrdreg s16  }
0x9: {  	s6 =	ssub.s32 s4, s6;
	s18 =	sadd.s32 s3, s17;
	[dreg:$0x6] =	wrdreg s0  }
0xa: {  	s19 =	sor.u32 $0x4000, s2;
	s4 =	sadd.s32 s5, s15;
	[dreg:$0x7] =	wrdreg s18  }
0xb: {  	s21 =	sor.u32 $0x5000, s2;
	s20 =	sadd.s32 s3, s19;
	[dreg:$0x8] =	wrdreg s4  }
0xc: {  	s23 =	sor.u32 $0x6000, s2;
	s22 =	sadd.s32 s3, s21;
	[dreg:$0x9] =	wrdreg s20  }
0xd: {  	s25 =	sor.u32 $0x7000, s2;
	s24 =	sadd.s32 s3, s23;
	[dreg:$0xb] =	wrdreg s22  }
0xe: {  	s8 =	sor.u32 $0x8000, s2;
	s26 =	sadd.s32 s3, s25;
	[dreg:$0xd] =	wrdreg s24  }
0xf: {  	s10 =	sor.u32 $0x9000, s2;
	s9 =	sadd.s32 s3, s8;
	[dreg:$0xf] =	wrdreg s26  }
0x10: {  	s11 =	sadd.s32 s3, s10;
	[dreg:$0x11] =	wrdreg s9  }
0x11: {  	s12 =	sadd.s32 s5, s8;
	[dreg:$0x13] =	wrdreg s11  }
0x12: {  	s14 =	sadd.s32 s5, s10;
	[dreg:$0x14] =	wrdreg s12  }
0x13: {  	s7 =	sadd.s32 s5, s17;
	[dreg:$0x15] =	wrdreg s14  }
0x14: {  	s0 =	sadd.s32 s5, s19;
	[dreg:$0xa] =	wrdreg s7  }
0x15: {  	s13 =	sor.u32 $0xA000, s2;
	s4 =	sadd.s32 s5, s21;
	[dreg:$0xc] =	wrdreg s0  }
0x16: {  	s15 =	sor.u32 $0xB000, s2;
	s16 =	sadd.s32 s3, s13;
	[dreg:$0xe] =	wrdreg s4  }
0x17: {  	s17 =	sadd.s32 s3, s15;
	[dreg:$0x16] =	wrdreg s16  }
0x18: {  	s10 =	sor.u32 $0x11000, s2;
	s18 =	sadd.s32 s5, s15;
	[dreg:$0x18] =	wrdreg s17  }
0x19: {  	s31 =	sadd.s32 s3, s2;
	s12 =	sadd.s32 s3, s10;
	[dreg:$0x19] =	wrdreg s18  }
0x1a: {  	s6 =	smax.u32 s6, $0x1;
	s7 =	sadd.s32 s5, s23;
	[smem:$0x7F2] =	sst s12  }
0x1b: {  	s19 =	sor.u32 $0xC000, s2;
	s0 =	sadd.s32 s5, s25;
	[dreg:$0x10] =	wrdreg s7  }
0x1c: {  	s20 =	sor.u32 $0xD000, s2;
	s21 =	sadd.s32 s3, s19;
	[dreg:$0x12] =	wrdreg s0  }
0x1d: {  	s24 =	sor.u32 $0xE000, s2;
	s22 =	sadd.s32 s3, s20;
	[dreg:$0x1a] =	wrdreg s21  }
0x1e: {  	s9 =	sor.u32 $0x10000, s2;
	s23 =	sadd.s32 s5, s20;
	[dreg:$0x1c] =	wrdreg s22  }
0x1f: {  	s14 =	sor.u32 $0x12000, s2;
	s26 =	sadd.s32 s3, s24;
	[dreg:$0x1d] =	wrdreg s23  }
0x20: {  	s15 =	sor.u32 $0x13000, s2;
	s11 =	sadd.s32 s3, s9;
	[dreg:$0x1e] =	wrdreg s26  }
0x21: {  	s25 =	sor.u32 $0xF000, s2;
	s16 =	sadd.s32 s3, s14;
	[smem:$0x7F0] =	sst s11  }
0x22: {  	s17 =	sadd.s32 s3, s15;
	s18 =	sadd.s32 s5, s15;
	[smem:$0x7F4] =	sst s16  }
0x23: {  	s20 =	sor.u32 $0x15000, s2;
	s12 =	sor.u32 $0x1C000, s2;
	[smem:$0x7F6] =	sst s17  }
0x24: {  	s15 =	sor.u32 $0x1F000, s2;
	s0 =	sadd.s32 s5, s13;
	[smem:$0x7F7] =	sst s18  }
0x25: {  	s7 =	sadd.s32 s3, s25;
	s8 =	sadd.s32 s5, s25;
	[dreg:$0x17] =	wrdreg s0  }
0x26: {  	s13 =	sadd.s32 s5, s10;
	s22 =	sadd.s32 s3, s20;
	[smem:$0x7EE] =	sst s7  }
0x27: {  	s23 =	sadd.s32 s5, s20;
	s25 =	sor.u32 $0x17000, s2;
	[smem:$0x7EF] =	sst s8  }
0x28: {  	s10 =	sor.u32 $0x1A000, s2;
	s11 =	sor.u32 $0x1B000, s2;
	[smem:$0x7F3] =	sst s13  }
0x29: {  	s28 =	sadd.s32 s5, s12;
	s0 =	sadd.s32 s5, s19;
	[smem:$0x7FA] =	sst s22  }
0x2a: {  	s19 =	sor.u32 $0x14000, s2;
	[smem:$0x7FB] =	sst s23;
	s16 =	sadd.s32 s3, s25  }
0x2b: {  	s17 =	sadd.s32 s5, s25;
	s8 =	sor.u32 $0x18000, s2;
	s22 =	sadd.s32 s3, s10  }
0x2c: {  	s23 =	sadd.s32 s5, s10;
	s25 =	sadd.s32 s5, s11;
	s13 =	sor.u32 $0x1D000, s2  }
0x2d: {  	s7 =	simm.s32 $0x5;
	s10 =	simm.s32 $0x3;
	[dreg:$0x1b] =	wrdreg s0  }
0x2e: {  	s0 =	sadd.s32 s5, s24;
	s21 =	sadd.s32 s3, s19;
	s24 =	sor.u32 $0x16000, s2  }
0x2f: {  	s18 =	sadd.s32 s3, s8;
	s29 =	sadd.s32 s3, s13;
	[dreg:$0x1f] =	wrdreg s0  }
0x30: {  	s30 =	sadd.s32 s5, s13;
	s0 =	sadd.s32 s5, s9;
	[smem:$0x7F8] =	sst s21  }
0x31: {  	s13 =	simm.s32 $0x0;
	s26 =	sadd.s32 s3, s24;
	[smem:$0x7F1] =	sst s0  }
0x32: {  	s9 =	sor.u32 $0x19000, s2;
	s0 =	sadd.s32 s5, s14;
	[smem:$0x7FC] =	sst s26  }
0x33: {  	s20 =	sadd.s32 s3, s9;
	s21 =	sadd.s32 s5, s9;
	s26 =	sadd.s32 s3, s12  }
0x34: {  	s14 =	sor.u32 $0x1E000, s2;
	s9 =	simm.s32 $0x1;
	s12 =	simm.s32 $0x4  }
0x35: {  	[smem:$0x7F5] =	sst s0;
	s0 =	sadd.s32 s5, s19;
	s19 =	sadd.s32 s5, s8  }
0x36: {  	s4 =	sadd.s32 s5, s14;
	s8 =	simm.s32 $0x8000;
	[smem:$0x7F9] =	sst s0  }
0x37: {  	s0 =	sadd.s32 s5, s24;
	s24 =	sadd.s32 s3, s11;
	s11 =	simm.s32 $0x2  }
0x38: {  	[smem:$0x7FD] =	sst s0;
	s0 =	sadd.s32 s5, s2;
	s2 =	sadd.s32 s3, s14  }
0x39: {  	s3 =	sadd.s32 s3, s15;
	s5 =	sadd.s32 s5, s15;
	_ =	strace $0x80000047  }
.LBB2_1:
0x3a: {  	s14 =	rddreg [dreg:$0x1];
	s15 =	simm.s32 $0x10000  }
0x3b: {  	[tilespmem:s15], [sflag:$0x5] =	stream.linear.gather [hbm4b:s14+s1], $0x80, $0x38;
	[tilespmem:$0x10080] =	vst v63  }
0x3c: {  	_ =	swait.ge [sflag:s7], $0x80  }
0x3d: {  	[sflag:s7] =	ssyncset.done $0x0  }
0x3e: {  	[sflag:s7] =	ssyncadd.s32 $0xFFFFFF80  }
0x3f: {  	v0 =	vld [tilespmem:$0x10000];
	_ =	sdelay $0x4  }
0x40: {  	(erf) = vrcp.f32 v0;
	_ =	sdelay $0x6  }
0x41: {  	[tilespmem:s1], [sflag:$0x1] =	stream.linear.gather [hbm4b:s31+s1], $0x8000, $0x38;
	[tilespmem:$0x10080] =	vst v63  }
0x42: {  	s15 =	rddreg [dreg:$0x4]  }
0x43: {  	[tilespmem:s8], [sflag:$0x2] =	stream.linear.gather [hbm4b:s15+s1], $0x8000, $0x38;
	v0 =	vpop (erf);
	[tilespmem:$0x10080] =	vst v63  }
0x44: {  	_ =	swait.ge [sflag:s9], $0x8000  }
0x45: {  	[sflag:s9] =	ssyncset.done $0x0  }
0x46: {  	s14 =	simm.s32 $0x0;
	s15 =	simm.s32 $0x40;
	[sflag:s9] =	ssyncadd.s32 $0xFFFF8000  }
.LBB2_2:
0x47: {  	p0 =	sne.s32 s15, $0x1FFC0;
	v1 =	vld [tilespmem:s14+$0x0];
	_ =	sdelay $0x2  }
.Ltmp0:
0x48: {  	(pc) =	sbr.rel @p0 .LBB2_2-.Ltmp0, $3  }
0x49: {  	_ = 	snop  }
0x4a: {  	v1 =	vmul.f32 v1, v0;
	_ =	sdelay $0x1  }
0x4b: {  	[tilespmem:s14+$0x0] =	vst v1;
	s14 =	sshra.s32 s15, $0x2;
	s15 =	sadd.s32 $0x40, s15  }
0x4c: {  	v1 =	vld [tilespmem:s14+$0x0];
	_ =	sdelay $0x4  }
0x4d: {  	v1 =	vmul.f32 v1, v0;
	_ =	sdelay $0x1  }
0x4e: {  	[tilespmem:s14+$0x0] =	vst v1;
	s14 =	simm.s32 $0x0  }
0x4f: {  	[hbm4b:s0+s14] =	stream.linear.scatter [tilespmem:s14], [sflag:$0x3], $0x8000, $0x38;
	[tilespmem:$0x10080] =	vst v63  }
0x50: {  	_ =	swait.ge [sflag:s10], $0x8000  }
0x51: {  	[sflag:s10] =	ssyncset.done $0x0  }
0x52: {  	s15 =	rddreg [dreg:$0x5];
	[sflag:s10] =	ssyncadd.s32 $0xFFFF8000  }
0x53: {  	[tilespmem:s14], [sflag:$0x1] =	stream.linear.gather [hbm4b:s15+s14], $0x8000, $0x38;
	[tilespmem:$0x10080] =	vst v63  }
0x54: {  	_ =	swait.ge [sflag:s11], $0x8000  }
0x55: {  	[sflag:s11] =	ssyncset.done $0x0  }
0x56: {  	s14 =	simm.s32 $0x0;
	s15 =	simm.s32 $0x40;
	[sflag:s11] =	ssyncadd.s32 $0xFFFF8000  }
.LBB2_4:
0x57: {  	p0 =	sne.s32 s15, $0x1FFC0;
	v1 =	vld [tilespmem:s14+$0x8000];
	_ =	sdelay $0x2  }
.Ltmp1:
0x58: {  	(pc) =	sbr.rel @p0 .LBB2_4-.Ltmp1, $3  }
0x59: {  	_ = 	snop  }
0x5a: {  	v1 =	vmul.f32 v1, v0;
	_ =	sdelay $0x1  }
0x5b: {  	[tilespmem:s14+$0x8000] =	vst v1;
	s14 =	sshra.s32 s15, $0x2;
	s15 =	sadd.s32 $0x40, s15  }
0x5c: {  	v1 =	vld [tilespmem:s14+$0x8000];
	_ =	sdelay $0x4  }
0x5d: {  	v1 =	vmul.f32 v1, v0;
	_ =	sdelay $0x1  }
0x5e: {  	s15 =	rddreg [dreg:$0x6];
	[tilespmem:s14+$0x8000] =	vst v1;
	s14 =	simm.s32 $0x0  }
0x5f: {  	[hbm4b:s15+s14] =	stream.linear.scatter [tilespmem:s8], [sflag:$0x4], $0x8000, $0x38;
	[tilespmem:$0x10080] =	vst v63  }
0x60: {  	_ =	swait.ge [sflag:s12], $0x8000  }
0x61: {  	[sflag:s12] =	ssyncset.done $0x0  }
0x62: {  	s15 =	rddreg [dreg:$0x7];
	[sflag:s12] =	ssyncadd.s32 $0xFFFF8000  }
0x63: {  	[tilespmem:s8], [sflag:$0x2] =	stream.linear.gather [hbm4b:s15+s14], $0x8000, $0x38;
	[tilespmem:$0x10080] =	vst v63  }
0x64: {  	_ =	swait.ge [sflag:s9], $0x8000  }
0x65: {  	[sflag:s9] =	ssyncset.done $0x0  }
0x66: {  	s14 =	simm.s32 $0x0;
	s15 =	simm.s32 $0x40;
	[sflag:s9] =	ssyncadd.s32 $0xFFFF8000  }
.LBB2_6:
0x67: {  	p0 =	sne.s32 s15, $0x1FFC0;
	v1 =	vld [tilespmem:s14+$0x0];
	_ =	sdelay $0x2  }
.Ltmp2:
0x68: {  	(pc) =	sbr.rel @p0 .LBB2_6-.Ltmp2, $3  }
0x69: {  	_ = 	snop  }
0x6a: {  	v1 =	vmul.f32 v1, v0;
	_ =	sdelay $0x1  }
0x6b: {  	[tilespmem:s14+$0x0] =	vst v1;
	s14 =	sshra.s32 s15, $0x2;
	s15 =	sadd.s32 $0x40, s15  }
0x6c: {  	v1 =	vld [tilespmem:s14+$0x0];
	_ =	sdelay $0x4  }
0x6d: {  	v1 =	vmul.f32 v1, v0;
	_ =	sdelay $0x1  }
0x6e: {  	s15 =	rddreg [dreg:$0x8];
	[tilespmem:s14+$0x0] =	vst v1;
	s14 =	simm.s32 $0x0  }
0x6f: {  	[hbm4b:s15+s14] =	stream.linear.scatter [tilespmem:s14], [sflag:$0x3], $0x8000, $0x38;
	[tilespmem:$0x10080] =	vst v63  }
0x70: {  	_ =	swait.ge [sflag:s10], $0x8000  }
0x71: {  	[sflag:s10] =	ssyncset.done $0x0  }
0x72: {  	s15 =	rddreg [dreg:$0x9];
	[sflag:s10] =	ssyncadd.s32 $0xFFFF8000  }
0x73: {  	[tilespmem:s14], [sflag:$0x1] =	stream.linear.gather [hbm4b:s15+s14], $0x8000, $0x38;
	[tilespmem:$0x10080] =	vst v63  }
0x74: {  	_ =	swait.ge [sflag:s11], $0x8000  }
0x75: {  	[sflag:s11] =	ssyncset.done $0x0  }
0x76: {  	s14 =	simm.s32 $0x0;
	s15 =	simm.s32 $0x40;
	[sflag:s11] =	ssyncadd.s32 $0xFFFF8000  }
.LBB2_8:
0x77: {  	p0 =	sne.s32 s15, $0x1FFC0;
	v1 =	vld [tilespmem:s14+$0x8000];
	_ =	sdelay $0x2  }
.Ltmp3:
0x78: {  	(pc) =	sbr.rel @p0 .LBB2_8-.Ltmp3, $3  }
0x79: {  	_ = 	snop  }
0x7a: {  	v1 =	vmul.f32 v1, v0;
	_ =	sdelay $0x1  }
0x7b: {  	[tilespmem:s14+$0x8000] =	vst v1;
	s14 =	sshra.s32 s15, $0x2;
	s15 =	sadd.s32 $0x40, s15  }
0x7c: {  	v1 =	vld [tilespmem:s14+$0x8000];
	_ =	sdelay $0x4  }
0x7d: {  	v1 =	vmul.f32 v1, v0;
	_ =	sdelay $0x1  }
0x7e: {  	s15 =	rddreg [dreg:$0xa];
	[tilespmem:s14+$0x8000] =	vst v1;
	s14 =	simm.s32 $0x0  }
0x7f: {  	[hbm4b:s15+s14] =	stream.linear.scatter [tilespmem:s8], [sflag:$0x4], $0x8000, $0x38;
	[tilespmem:$0x10080] =	vst v63  }
0x80: {  	_ =	swait.ge [sflag:s12], $0x8000  }
0x81: {  	[sflag:s12] =	ssyncset.done $0x0  }
0x82: {  	s15 =	rddreg [dreg:$0xb];
	[sflag:s12] =	ssyncadd.s32 $0xFFFF8000  }
0x83: {  	[tilespmem:s8], [sflag:$0x2] =	stream.linear.gather [hbm4b:s15+s14], $0x8000, $0x38;
	[tilespmem:$0x10080] =	vst v63  }
0x84: {  	_ =	swait.ge [sflag:s9], $0x8000  }
0x85: {  	[sflag:s9] =	ssyncset.done $0x0  }
0x86: {  	s14 =	simm.s32 $0x0;
	s15 =	simm.s32 $0x40;
	[sflag:s9] =	ssyncadd.s32 $0xFFFF8000  }
.LBB2_10:
0x87: {  	p0 =	sne.s32 s15, $0x1FFC0;
	v1 =	vld [tilespmem:s14+$0x0];
	_ =	sdelay $0x2  }
.Ltmp4:
0x88: {  	(pc) =	sbr.rel @p0 .LBB2_10-.Ltmp4, $3  }
0x89: {  	_ = 	snop  }
0x8a: {  	v1 =	vmul.f32 v1, v0;
	_ =	sdelay $0x1  }
0x8b: {  	[tilespmem:s14+$0x0] =	vst v1;
	s14 =	sshra.s32 s15, $0x2;
	s15 =	sadd.s32 $0x40, s15  }
0x8c: {  	v1 =	vld [tilespmem:s14+$0x0];
	_ =	sdelay $0x4  }
0x8d: {  	v1 =	vmul.f32 v1, v0;
	_ =	sdelay $0x1  }
0x8e: {  	s15 =	rddreg [dreg:$0xc];
	[tilespmem:s14+$0x0] =	vst v1;
	s14 =	simm.s32 $0x0  }
0x8f: {  	[hbm4b:s15+s14] =	stream.linear.scatter [tilespmem:s14], [sflag:$0x3], $0x8000, $0x38;
	[tilespmem:$0x10080] =	vst v63  }
0x90: {  	_ =	swait.ge [sflag:s10], $0x8000  }
0x91: {  	[sflag:s10] =	ssyncset.done $0x0  }
0x92: {  	s15 =	rddreg [dreg:$0xd];
	[sflag:s10] =	ssyncadd.s32 $0xFFFF8000  }
0x93: {  	[tilespmem:s14], [sflag:$0x1] =	stream.linear.gather [hbm4b:s15+s14], $0x8000, $0x38;
	[tilespmem:$0x10080] =	vst v63  }
0x94: {  	_ =	swait.ge [sflag:s11], $0x8000  }
0x95: {  	[sflag:s11] =	ssyncset.done $0x0  }
0x96: {  	s14 =	simm.s32 $0x0;
	s15 =	simm.s32 $0x40;
	[sflag:s11] =	ssyncadd.s32 $0xFFFF8000  }
.LBB2_12:
0x97: {  	p0 =	sne.s32 s15, $0x1FFC0;
	v1 =	vld [tilespmem:s14+$0x8000];
	_ =	sdelay $0x2  }
.Ltmp5:
0x98: {  	(pc) =	sbr.rel @p0 .LBB2_12-.Ltmp5, $3  }
0x99: {  	_ = 	snop  }
0x9a: {  	v1 =	vmul.f32 v1, v0;
	_ =	sdelay $0x1  }
0x9b: {  	[tilespmem:s14+$0x8000] =	vst v1;
	s14 =	sshra.s32 s15, $0x2;
	s15 =	sadd.s32 $0x40, s15  }
0x9c: {  	v1 =	vld [tilespmem:s14+$0x8000];
	_ =	sdelay $0x4  }
0x9d: {  	v1 =	vmul.f32 v1, v0;
	_ =	sdelay $0x1  }
0x9e: {  	s15 =	rddreg [dreg:$0xe];
	[tilespmem:s14+$0x8000] =	vst v1;
	s14 =	simm.s32 $0x0  }
0x9f: {  	[hbm4b:s15+s14] =	stream.linear.scatter [tilespmem:s8], [sflag:$0x4], $0x8000, $0x38;
	[tilespmem:$0x10080] =	vst v63  }
0xa0: {  	_ =	swait.ge [sflag:s12], $0x8000  }
0xa1: {  	[sflag:s12] =	ssyncset.done $0x0  }
0xa2: {  	s15 =	rddreg [dreg:$0xf];
	[sflag:s12] =	ssyncadd.s32 $0xFFFF8000  }
0xa3: {  	[tilespmem:s8], [sflag:$0x2] =	stream.linear.gather [hbm4b:s15+s14], $0x8000, $0x38;
	[tilespmem:$0x10080] =	vst v63  }
0xa4: {  	_ =	swait.ge [sflag:s9], $0x8000  }
0xa5: {  	[sflag:s9] =	ssyncset.done $0x0  }
0xa6: {  	s14 =	simm.s32 $0x0;
	s15 =	simm.s32 $0x40;
	[sflag:s9] =	ssyncadd.s32 $0xFFFF8000  }
.LBB2_14:
0xa7: {  	p0 =	sne.s32 s15, $0x1FFC0;
	v1 =	vld [tilespmem:s14+$0x0];
	_ =	sdelay $0x2  }
.Ltmp6:
0xa8: {  	(pc) =	sbr.rel @p0 .LBB2_14-.Ltmp6, $3  }
0xa9: {  	_ = 	snop  }
0xaa: {  	v1 =	vmul.f32 v1, v0;
	_ =	sdelay $0x1  }
0xab: {  	[tilespmem:s14+$0x0] =	vst v1;
	s14 =	sshra.s32 s15, $0x2;
	s15 =	sadd.s32 $0x40, s15  }
0xac: {  	v1 =	vld [tilespmem:s14+$0x0];
	_ =	sdelay $0x4  }
0xad: {  	v1 =	vmul.f32 v1, v0;
	_ =	sdelay $0x1  }
0xae: {  	s15 =	rddreg [dreg:$0x10];
	[tilespmem:s14+$0x0] =	vst v1;
	s14 =	simm.s32 $0x0  }
0xaf: {  	[hbm4b:s15+s14] =	stream.linear.scatter [tilespmem:s14], [sflag:$0x3], $0x8000, $0x38;
	[tilespmem:$0x10080] =	vst v63  }
0xb0: {  	_ =	swait.ge [sflag:s10], $0x8000  }
0xb1: {  	[sflag:s10] =	ssyncset.done $0x0  }
0xb2: {  	s15 =	rddreg [dreg:$0x11];
	[sflag:s10] =	ssyncadd.s32 $0xFFFF8000  }
0xb3: {  	[tilespmem:s14], [sflag:$0x1] =	stream.linear.gather [hbm4b:s15+s14], $0x8000, $0x38;
	[tilespmem:$0x10080] =	vst v63  }
0xb4: {  	_ =	swait.ge [sflag:s11], $0x8000  }
0xb5: {  	[sflag:s11] =	ssyncset.done $0x0  }
0xb6: {  	s14 =	simm.s32 $0x0;
	s15 =	simm.s32 $0x40;
	[sflag:s11] =	ssyncadd.s32 $0xFFFF8000  }
.LBB2_16:
0xb7: {  	p0 =	sne.s32 s15, $0x1FFC0;
	v1 =	vld [tilespmem:s14+$0x8000];
	_ =	sdelay $0x2  }
.Ltmp7:
0xb8: {  	(pc) =	sbr.rel @p0 .LBB2_16-.Ltmp7, $3  }
0xb9: {  	_ = 	snop  }
0xba: {  	v1 =	vmul.f32 v1, v0;
	_ =	sdelay $0x1  }
0xbb: {  	[tilespmem:s14+$0x8000] =	vst v1;
	s14 =	sshra.s32 s15, $0x2;
	s15 =	sadd.s32 $0x40, s15  }
0xbc: {  	v1 =	vld [tilespmem:s14+$0x8000];
	_ =	sdelay $0x4  }
0xbd: {  	v1 =	vmul.f32 v1, v0;
	_ =	sdelay $0x1  }
0xbe: {  	s15 =	rddreg [dreg:$0x12];
	[tilespmem:s14+$0x8000] =	vst v1;
	s14 =	simm.s32 $0x0  }
0xbf: {  	[hbm4b:s15+s14] =	stream.linear.scatter [tilespmem:s8], [sflag:$0x4], $0x8000, $0x38;
	[tilespmem:$0x10080] =	vst v63  }
0xc0: {  	_ =	swait.ge [sflag:s12], $0x8000  }
0xc1: {  	[sflag:s12] =	ssyncset.done $0x0  }
0xc2: {  	s15 =	rddreg [dreg:$0x13];
	[sflag:s12] =	ssyncadd.s32 $0xFFFF8000  }
0xc3: {  	[tilespmem:s8], [sflag:$0x2] =	stream.linear.gather [hbm4b:s15+s14], $0x8000, $0x38;
	[tilespmem:$0x10080] =	vst v63  }
0xc4: {  	_ =	swait.ge [sflag:s9], $0x8000  }
0xc5: {  	[sflag:s9] =	ssyncset.done $0x0  }
0xc6: {  	s14 =	simm.s32 $0x0;
	s15 =	simm.s32 $0x40;
	[sflag:s9] =	ssyncadd.s32 $0xFFFF8000  }
.LBB2_18:
0xc7: {  	p0 =	sne.s32 s15, $0x1FFC0;
	v1 =	vld [tilespmem:s14+$0x0];
	_ =	sdelay $0x2  }
.Ltmp8:
0xc8: {  	(pc) =	sbr.rel @p0 .LBB2_18-.Ltmp8, $3  }
0xc9: {  	_ = 	snop  }
0xca: {  	v1 =	vmul.f32 v1, v0;
	_ =	sdelay $0x1  }
0xcb: {  	[tilespmem:s14+$0x0] =	vst v1;
	s14 =	sshra.s32 s15, $0x2;
	s15 =	sadd.s32 $0x40, s15  }
0xcc: {  	v1 =	vld [tilespmem:s14+$0x0];
	_ =	sdelay $0x4  }
0xcd: {  	v1 =	vmul.f32 v1, v0;
	_ =	sdelay $0x1  }
0xce: {  	s15 =	rddreg [dreg:$0x14];
	[tilespmem:s14+$0x0] =	vst v1;
	s14 =	simm.s32 $0x0  }
0xcf: {  	[hbm4b:s15+s14] =	stream.linear.scatter [tilespmem:s14], [sflag:$0x3], $0x8000, $0x38;
	[tilespmem:$0x10080] =	vst v63  }
0xd0: {  	_ =	swait.ge [sflag:s10], $0x8000  }
0xd1: {  	[sflag:s10] =	ssyncset.done $0x0  }
0xd2: {  	s15 =	rddreg [dreg:$0x16];
	[sflag:s10] =	ssyncadd.s32 $0xFFFF8000  }
0xd3: {  	[tilespmem:s14], [sflag:$0x1] =	stream.linear.gather [hbm4b:s15+s14], $0x8000, $0x38;
	[tilespmem:$0x10080] =	vst v63  }
0xd4: {  	_ =	swait.ge [sflag:s11], $0x8000  }
0xd5: {  	[sflag:s11] =	ssyncset.done $0x0  }
0xd6: {  	s14 =	simm.s32 $0x0;
	s15 =	simm.s32 $0x40;
	[sflag:s11] =	ssyncadd.s32 $0xFFFF8000  }
.LBB2_20:
0xd7: {  	p0 =	sne.s32 s15, $0x1FFC0;
	v1 =	vld [tilespmem:s14+$0x8000];
	_ =	sdelay $0x2  }
.Ltmp9:
0xd8: {  	(pc) =	sbr.rel @p0 .LBB2_20-.Ltmp9, $3  }
0xd9: {  	_ = 	snop  }
0xda: {  	v1 =	vmul.f32 v1, v0;
	_ =	sdelay $0x1  }
0xdb: {  	[tilespmem:s14+$0x8000] =	vst v1;
	s14 =	sshra.s32 s15, $0x2;
	s15 =	sadd.s32 $0x40, s15  }
0xdc: {  	v1 =	vld [tilespmem:s14+$0x8000];
	_ =	sdelay $0x4  }
0xdd: {  	v1 =	vmul.f32 v1, v0;
	_ =	sdelay $0x1  }
0xde: {  	s15 =	rddreg [dreg:$0x15];
	[tilespmem:s14+$0x8000] =	vst v1;
	s14 =	simm.s32 $0x0  }
0xdf: {  	[hbm4b:s15+s14] =	stream.linear.scatter [tilespmem:s8], [sflag:$0x4], $0x8000, $0x38;
	[tilespmem:$0x10080] =	vst v63  }
0xe0: {  	_ =	swait.ge [sflag:s12], $0x8000  }
0xe1: {  	[sflag:s12] =	ssyncset.done $0x0  }
0xe2: {  	s15 =	rddreg [dreg:$0x18];
	[sflag:s12] =	ssyncadd.s32 $0xFFFF8000  }
0xe3: {  	[tilespmem:s8], [sflag:$0x2] =	stream.linear.gather [hbm4b:s15+s14], $0x8000, $0x38;
	[tilespmem:$0x10080] =	vst v63  }
0xe4: {  	_ =	swait.ge [sflag:s9], $0x8000  }
0xe5: {  	[sflag:s9] =	ssyncset.done $0x0  }
0xe6: {  	s14 =	simm.s32 $0x0;
	s15 =	simm.s32 $0x40;
	[sflag:s9] =	ssyncadd.s32 $0xFFFF8000  }
.LBB2_22:
0xe7: {  	p0 =	sne.s32 s15, $0x1FFC0;
	v1 =	vld [tilespmem:s14+$0x0];
	_ =	sdelay $0x2  }
.Ltmp10:
0xe8: {  	(pc) =	sbr.rel @p0 .LBB2_22-.Ltmp10, $3  }
0xe9: {  	_ = 	snop  }
0xea: {  	v1 =	vmul.f32 v1, v0;
	_ =	sdelay $0x1  }
0xeb: {  	[tilespmem:s14+$0x0] =	vst v1;
	s14 =	sshra.s32 s15, $0x2;
	s15 =	sadd.s32 $0x40, s15  }
0xec: {  	v1 =	vld [tilespmem:s14+$0x0];
	_ =	sdelay $0x4  }
0xed: {  	v1 =	vmul.f32 v1, v0;
	_ =	sdelay $0x1  }
0xee: {  	s15 =	rddreg [dreg:$0x17];
	[tilespmem:s14+$0x0] =	vst v1;
	s14 =	simm.s32 $0x0  }
0xef: {  	[hbm4b:s15+s14] =	stream.linear.scatter [tilespmem:s14], [sflag:$0x3], $0x8000, $0x38;
	[tilespmem:$0x10080] =	vst v63  }
0xf0: {  	_ =	swait.ge [sflag:s10], $0x8000  }
0xf1: {  	[sflag:s10] =	ssyncset.done $0x0  }
0xf2: {  	s15 =	rddreg [dreg:$0x1a];
	[sflag:s10] =	ssyncadd.s32 $0xFFFF8000  }
0xf3: {  	[tilespmem:s14], [sflag:$0x1] =	stream.linear.gather [hbm4b:s15+s14], $0x8000, $0x38;
	[tilespmem:$0x10080] =	vst v63  }
0xf4: {  	_ =	swait.ge [sflag:s11], $0x8000  }
0xf5: {  	[sflag:s11] =	ssyncset.done $0x0  }
0xf6: {  	s14 =	simm.s32 $0x0;
	s15 =	simm.s32 $0x40;
	[sflag:s11] =	ssyncadd.s32 $0xFFFF8000  }
.LBB2_24:
0xf7: {  	p0 =	sne.s32 s15, $0x1FFC0;
	v1 =	vld [tilespmem:s14+$0x8000];
	_ =	sdelay $0x2  }
.Ltmp11:
0xf8: {  	(pc) =	sbr.rel @p0 .LBB2_24-.Ltmp11, $3  }
0xf9: {  	_ = 	snop  }
0xfa: {  	v1 =	vmul.f32 v1, v0;
	_ =	sdelay $0x1  }
0xfb: {  	[tilespmem:s14+$0x8000] =	vst v1;
	s14 =	sshra.s32 s15, $0x2;
	s15 =	sadd.s32 $0x40, s15  }
0xfc: {  	v1 =	vld [tilespmem:s14+$0x8000];
	_ =	sdelay $0x4  }
0xfd: {  	v1 =	vmul.f32 v1, v0;
	_ =	sdelay $0x1  }
0xfe: {  	s15 =	rddreg [dreg:$0x19];
	[tilespmem:s14+$0x8000] =	vst v1;
	s14 =	simm.s32 $0x0  }
0xff: {  	[hbm4b:s15+s14] =	stream.linear.scatter [tilespmem:s8], [sflag:$0x4], $0x8000, $0x38;
	[tilespmem:$0x10080] =	vst v63  }
0x100: {  	_ =	swait.ge [sflag:s12], $0x8000  }
0x101: {  	[sflag:s12] =	ssyncset.done $0x0  }
0x102: {  	s15 =	rddreg [dreg:$0x1c];
	[sflag:s12] =	ssyncadd.s32 $0xFFFF8000  }
0x103: {  	[tilespmem:s8], [sflag:$0x2] =	stream.linear.gather [hbm4b:s15+s14], $0x8000, $0x38;
	[tilespmem:$0x10080] =	vst v63  }
0x104: {  	_ =	swait.ge [sflag:s9], $0x8000  }
0x105: {  	[sflag:s9] =	ssyncset.done $0x0  }
0x106: {  	s14 =	simm.s32 $0x0;
	s15 =	simm.s32 $0x40;
	[sflag:s9] =	ssyncadd.s32 $0xFFFF8000  }
.LBB2_26:
0x107: {  	p0 =	sne.s32 s15, $0x1FFC0;
	v1 =	vld [tilespmem:s14+$0x0];
	_ =	sdelay $0x2  }
.Ltmp12:
0x108: {  	(pc) =	sbr.rel @p0 .LBB2_26-.Ltmp12, $3  }
0x109: {  	_ = 	snop  }
0x10a: {  	v1 =	vmul.f32 v1, v0;
	_ =	sdelay $0x1  }
0x10b: {  	[tilespmem:s14+$0x0] =	vst v1;
	s14 =	sshra.s32 s15, $0x2;
	s15 =	sadd.s32 $0x40, s15  }
0x10c: {  	v1 =	vld [tilespmem:s14+$0x0];
	_ =	sdelay $0x4  }
0x10d: {  	v1 =	vmul.f32 v1, v0;
	_ =	sdelay $0x1  }
0x10e: {  	s15 =	rddreg [dreg:$0x1b];
	[tilespmem:s14+$0x0] =	vst v1;
	s14 =	simm.s32 $0x0  }
0x10f: {  	[hbm4b:s15+s14] =	stream.linear.scatter [tilespmem:s14], [sflag:$0x3], $0x8000, $0x38;
	[tilespmem:$0x10080] =	vst v63  }
0x110: {  	_ =	swait.ge [sflag:s10], $0x8000  }
0x111: {  	[sflag:s10] =	ssyncset.done $0x0  }
0x112: {  	s15 =	rddreg [dreg:$0x1e];
	[sflag:s10] =	ssyncadd.s32 $0xFFFF8000  }
0x113: {  	[tilespmem:s14], [sflag:$0x1] =	stream.linear.gather [hbm4b:s15+s14], $0x8000, $0x38;
	[tilespmem:$0x10080] =	vst v63  }
0x114: {  	_ =	swait.ge [sflag:s11], $0x8000  }
0x115: {  	[sflag:s11] =	ssyncset.done $0x0  }
0x116: {  	s14 =	simm.s32 $0x0;
	s15 =	simm.s32 $0x40;
	[sflag:s11] =	ssyncadd.s32 $0xFFFF8000  }
.LBB2_28:
0x117: {  	p0 =	sne.s32 s15, $0x1FFC0;
	v1 =	vld [tilespmem:s14+$0x8000];
	_ =	sdelay $0x2  }
.Ltmp13:
0x118: {  	(pc) =	sbr.rel @p0 .LBB2_28-.Ltmp13, $3  }
0x119: {  	_ = 	snop  }
0x11a: {  	v1 =	vmul.f32 v1, v0;
	_ =	sdelay $0x1  }
0x11b: {  	[tilespmem:s14+$0x8000] =	vst v1;
	s14 =	sshra.s32 s15, $0x2;
	s15 =	sadd.s32 $0x40, s15  }
0x11c: {  	v1 =	vld [tilespmem:s14+$0x8000];
	_ =	sdelay $0x4  }
0x11d: {  	v1 =	vmul.f32 v1, v0;
	_ =	sdelay $0x1  }
0x11e: {  	s15 =	rddreg [dreg:$0x1d];
	[tilespmem:s14+$0x8000] =	vst v1;
	s14 =	simm.s32 $0x0  }
0x11f: {  	[hbm4b:s15+s14] =	stream.linear.scatter [tilespmem:s8], [sflag:$0x4], $0x8000, $0x38;
	[tilespmem:$0x10080] =	vst v63  }
0x120: {  	_ =	swait.ge [sflag:s12], $0x8000  }
0x121: {  	s15 =	sld [smem:$0x7EE]  }
0x122: {  	[sflag:s12] =	ssyncset.done $0x0  }
0x123: {  	[sflag:s12] =	ssyncadd.s32 $0xFFFF8000  }
0x124: {  	[tilespmem:s8], [sflag:$0x2] =	stream.linear.gather [hbm4b:s15+s14], $0x8000, $0x38;
	[tilespmem:$0x10080] =	vst v63  }
0x125: {  	_ =	swait.ge [sflag:s9], $0x8000  }
0x126: {  	[sflag:s9] =	ssyncset.done $0x0  }
0x127: {  	s14 =	simm.s32 $0x0;
	s15 =	simm.s32 $0x40;
	[sflag:s9] =	ssyncadd.s32 $0xFFFF8000  }
.LBB2_30:
0x128: {  	p0 =	sne.s32 s15, $0x1FFC0;
	v1 =	vld [tilespmem:s14+$0x0];
	_ =	sdelay $0x2  }
.Ltmp14:
0x129: {  	(pc) =	sbr.rel @p0 .LBB2_30-.Ltmp14, $3  }
0x12a: {  	_ = 	snop  }
0x12b: {  	v1 =	vmul.f32 v1, v0;
	_ =	sdelay $0x1  }
0x12c: {  	[tilespmem:s14+$0x0] =	vst v1;
	s14 =	sshra.s32 s15, $0x2;
	s15 =	sadd.s32 $0x40, s15  }
0x12d: {  	v1 =	vld [tilespmem:s14+$0x0];
	_ =	sdelay $0x4  }
0x12e: {  	v1 =	vmul.f32 v1, v0;
	_ =	sdelay $0x1  }
0x12f: {  	s15 =	rddreg [dreg:$0x1f];
	[tilespmem:s14+$0x0] =	vst v1;
	s14 =	simm.s32 $0x0  }
0x130: {  	[hbm4b:s15+s14] =	stream.linear.scatter [tilespmem:s14], [sflag:$0x3], $0x8000, $0x38;
	[tilespmem:$0x10080] =	vst v63  }
0x131: {  	_ =	swait.ge [sflag:s10], $0x8000  }
0x132: {  	s15 =	sld [smem:$0x7F0]  }
0x133: {  	[sflag:s10] =	ssyncset.done $0x0  }
0x134: {  	[sflag:s10] =	ssyncadd.s32 $0xFFFF8000  }
0x135: {  	[tilespmem:s14], [sflag:$0x1] =	stream.linear.gather [hbm4b:s15+s14], $0x8000, $0x38;
	[tilespmem:$0x10080] =	vst v63  }
0x136: {  	_ =	swait.ge [sflag:s11], $0x8000  }
0x137: {  	[sflag:s11] =	ssyncset.done $0x0  }
0x138: {  	s14 =	simm.s32 $0x0;
	s15 =	simm.s32 $0x40;
	[sflag:s11] =	ssyncadd.s32 $0xFFFF8000  }
.LBB2_32:
0x139: {  	p0 =	sne.s32 s15, $0x1FFC0;
	v1 =	vld [tilespmem:s14+$0x8000];
	_ =	sdelay $0x2  }
.Ltmp15:
0x13a: {  	(pc) =	sbr.rel @p0 .LBB2_32-.Ltmp15, $3  }
0x13b: {  	_ = 	snop  }
0x13c: {  	v1 =	vmul.f32 v1, v0;
	_ =	sdelay $0x1  }
0x13d: {  	[tilespmem:s14+$0x8000] =	vst v1;
	s14 =	sshra.s32 s15, $0x2;
	s15 =	sadd.s32 $0x40, s15  }
0x13e: {  	v1 =	vld [tilespmem:s14+$0x8000];
	_ =	sdelay $0x4  }
0x13f: {  	s15 =	sld [smem:$0x7EF];
	v1 =	vmul.f32 v1, v0;
	_ =	sdelay $0x1  }
0x140: {  	[tilespmem:s14+$0x8000] =	vst v1;
	s14 =	simm.s32 $0x0  }
0x141: {  	[hbm4b:s15+s14] =	stream.linear.scatter [tilespmem:s8], [sflag:$0x4], $0x8000, $0x38;
	[tilespmem:$0x10080] =	vst v63  }
0x142: {  	_ =	swait.ge [sflag:s12], $0x8000  }
0x143: {  	s15 =	sld [smem:$0x7F2]  }
0x144: {  	[sflag:s12] =	ssyncset.done $0x0  }
0x145: {  	[sflag:s12] =	ssyncadd.s32 $0xFFFF8000  }
0x146: {  	[tilespmem:s8], [sflag:$0x2] =	stream.linear.gather [hbm4b:s15+s14], $0x8000, $0x38;
	[tilespmem:$0x10080] =	vst v63  }
0x147: {  	_ =	swait.ge [sflag:s9], $0x8000  }
0x148: {  	[sflag:s9] =	ssyncset.done $0x0  }
0x149: {  	s14 =	simm.s32 $0x0;
	s15 =	simm.s32 $0x40;
	[sflag:s9] =	ssyncadd.s32 $0xFFFF8000  }
.LBB2_34:
0x14a: {  	p0 =	sne.s32 s15, $0x1FFC0;
	v1 =	vld [tilespmem:s14+$0x0];
	_ =	sdelay $0x2  }
.Ltmp16:
0x14b: {  	(pc) =	sbr.rel @p0 .LBB2_34-.Ltmp16, $3  }
0x14c: {  	_ = 	snop  }
0x14d: {  	v1 =	vmul.f32 v1, v0;
	_ =	sdelay $0x1  }
0x14e: {  	[tilespmem:s14+$0x0] =	vst v1;
	s14 =	sshra.s32 s15, $0x2;
	s15 =	sadd.s32 $0x40, s15  }
0x14f: {  	v1 =	vld [tilespmem:s14+$0x0];
	_ =	sdelay $0x4  }
0x150: {  	s15 =	sld [smem:$0x7F1];
	v1 =	vmul.f32 v1, v0;
	_ =	sdelay $0x1  }
0x151: {  	[tilespmem:s14+$0x0] =	vst v1;
	s14 =	simm.s32 $0x0  }
0x152: {  	[hbm4b:s15+s14] =	stream.linear.scatter [tilespmem:s14], [sflag:$0x3], $0x8000, $0x38;
	[tilespmem:$0x10080] =	vst v63  }
0x153: {  	_ =	swait.ge [sflag:s10], $0x8000  }
0x154: {  	s15 =	sld [smem:$0x7F4]  }
0x155: {  	[sflag:s10] =	ssyncset.done $0x0  }
0x156: {  	[sflag:s10] =	ssyncadd.s32 $0xFFFF8000  }
0x157: {  	[tilespmem:s14], [sflag:$0x1] =	stream.linear.gather [hbm4b:s15+s14], $0x8000, $0x38;
	[tilespmem:$0x10080] =	vst v63  }
0x158: {  	_ =	swait.ge [sflag:s11], $0x8000  }
0x159: {  	[sflag:s11] =	ssyncset.done $0x0  }
0x15a: {  	s14 =	simm.s32 $0x0;
	s15 =	simm.s32 $0x40;
	[sflag:s11] =	ssyncadd.s32 $0xFFFF8000  }
.LBB2_36:
0x15b: {  	p0 =	sne.s32 s15, $0x1FFC0;
	v1 =	vld [tilespmem:s14+$0x8000];
	_ =	sdelay $0x2  }
.Ltmp17:
0x15c: {  	(pc) =	sbr.rel @p0 .LBB2_36-.Ltmp17, $3  }
0x15d: {  	_ = 	snop  }
0x15e: {  	v1 =	vmul.f32 v1, v0;
	_ =	sdelay $0x1  }
0x15f: {  	[tilespmem:s14+$0x8000] =	vst v1;
	s14 =	sshra.s32 s15, $0x2;
	s15 =	sadd.s32 $0x40, s15  }
0x160: {  	v1 =	vld [tilespmem:s14+$0x8000];
	_ =	sdelay $0x4  }
0x161: {  	s15 =	sld [smem:$0x7F3];
	v1 =	vmul.f32 v1, v0;
	_ =	sdelay $0x1  }
0x162: {  	[tilespmem:s14+$0x8000] =	vst v1;
	s14 =	simm.s32 $0x0  }
0x163: {  	[hbm4b:s15+s14] =	stream.linear.scatter [tilespmem:s8], [sflag:$0x4], $0x8000, $0x38;
	[tilespmem:$0x10080] =	vst v63  }
0x164: {  	_ =	swait.ge [sflag:s12], $0x8000  }
0x165: {  	s15 =	sld [smem:$0x7F6]  }
0x166: {  	[sflag:s12] =	ssyncset.done $0x0  }
0x167: {  	[sflag:s12] =	ssyncadd.s32 $0xFFFF8000  }
0x168: {  	[tilespmem:s8], [sflag:$0x2] =	stream.linear.gather [hbm4b:s15+s14], $0x8000, $0x38;
	[tilespmem:$0x10080] =	vst v63  }
0x169: {  	_ =	swait.ge [sflag:s9], $0x8000  }
0x16a: {  	[sflag:s9] =	ssyncset.done $0x0  }
0x16b: {  	s14 =	simm.s32 $0x0;
	s15 =	simm.s32 $0x40;
	[sflag:s9] =	ssyncadd.s32 $0xFFFF8000  }
.LBB2_38:
0x16c: {  	p0 =	sne.s32 s15, $0x1FFC0;
	v1 =	vld [tilespmem:s14+$0x0];
	_ =	sdelay $0x2  }
.Ltmp18:
0x16d: {  	(pc) =	sbr.rel @p0 .LBB2_38-.Ltmp18, $3  }
0x16e: {  	_ = 	snop  }
0x16f: {  	v1 =	vmul.f32 v1, v0;
	_ =	sdelay $0x1  }
0x170: {  	[tilespmem:s14+$0x0] =	vst v1;
	s14 =	sshra.s32 s15, $0x2;
	s15 =	sadd.s32 $0x40, s15  }
0x171: {  	v1 =	vld [tilespmem:s14+$0x0];
	_ =	sdelay $0x4  }
0x172: {  	s15 =	sld [smem:$0x7F5];
	v1 =	vmul.f32 v1, v0;
	_ =	sdelay $0x1  }
0x173: {  	[tilespmem:s14+$0x0] =	vst v1;
	s14 =	simm.s32 $0x0  }
0x174: {  	[hbm4b:s15+s14] =	stream.linear.scatter [tilespmem:s14], [sflag:$0x3], $0x8000, $0x38;
	[tilespmem:$0x10080] =	vst v63  }
0x175: {  	_ =	swait.ge [sflag:s10], $0x8000  }
0x176: {  	s15 =	sld [smem:$0x7F8]  }
0x177: {  	[sflag:s10] =	ssyncset.done $0x0  }
0x178: {  	[sflag:s10] =	ssyncadd.s32 $0xFFFF8000  }
0x179: {  	[tilespmem:s14], [sflag:$0x1] =	stream.linear.gather [hbm4b:s15+s14], $0x8000, $0x38;
	[tilespmem:$0x10080] =	vst v63  }
0x17a: {  	_ =	swait.ge [sflag:s11], $0x8000  }
0x17b: {  	[sflag:s11] =	ssyncset.done $0x0  }
0x17c: {  	s14 =	simm.s32 $0x0;
	s15 =	simm.s32 $0x40;
	[sflag:s11] =	ssyncadd.s32 $0xFFFF8000  }
.LBB2_40:
0x17d: {  	p0 =	sne.s32 s15, $0x1FFC0;
	v1 =	vld [tilespmem:s14+$0x8000];
	_ =	sdelay $0x2  }
.Ltmp19:
0x17e: {  	(pc) =	sbr.rel @p0 .LBB2_40-.Ltmp19, $3  }
0x17f: {  	_ = 	snop  }
0x180: {  	v1 =	vmul.f32 v1, v0;
	_ =	sdelay $0x1  }
0x181: {  	[tilespmem:s14+$0x8000] =	vst v1;
	s14 =	sshra.s32 s15, $0x2;
	s15 =	sadd.s32 $0x40, s15  }
0x182: {  	v1 =	vld [tilespmem:s14+$0x8000];
	_ =	sdelay $0x4  }
0x183: {  	s15 =	sld [smem:$0x7F7];
	v1 =	vmul.f32 v1, v0;
	_ =	sdelay $0x1  }
0x184: {  	[tilespmem:s14+$0x8000] =	vst v1;
	s14 =	simm.s32 $0x0  }
0x185: {  	[hbm4b:s15+s14] =	stream.linear.scatter [tilespmem:s8], [sflag:$0x4], $0x8000, $0x38;
	[tilespmem:$0x10080] =	vst v63  }
0x186: {  	_ =	swait.ge [sflag:s12], $0x8000  }
0x187: {  	s15 =	sld [smem:$0x7FA]  }
0x188: {  	[sflag:s12] =	ssyncset.done $0x0  }
0x189: {  	[sflag:s12] =	ssyncadd.s32 $0xFFFF8000  }
0x18a: {  	[tilespmem:s8], [sflag:$0x2] =	stream.linear.gather [hbm4b:s15+s14], $0x8000, $0x38;
	[tilespmem:$0x10080] =	vst v63  }
0x18b: {  	_ =	swait.ge [sflag:s9], $0x8000  }
0x18c: {  	[sflag:s9] =	ssyncset.done $0x0  }
0x18d: {  	s14 =	simm.s32 $0x0;
	s15 =	simm.s32 $0x40;
	[sflag:s9] =	ssyncadd.s32 $0xFFFF8000  }
.LBB2_42:
0x18e: {  	p0 =	sne.s32 s15, $0x1FFC0;
	v1 =	vld [tilespmem:s14+$0x0];
	_ =	sdelay $0x2  }
.Ltmp20:
0x18f: {  	(pc) =	sbr.rel @p0 .LBB2_42-.Ltmp20, $3  }
0x190: {  	_ = 	snop  }
0x191: {  	v1 =	vmul.f32 v1, v0;
	_ =	sdelay $0x1  }
0x192: {  	[tilespmem:s14+$0x0] =	vst v1;
	s14 =	sshra.s32 s15, $0x2;
	s15 =	sadd.s32 $0x40, s15  }
0x193: {  	v1 =	vld [tilespmem:s14+$0x0];
	_ =	sdelay $0x4  }
0x194: {  	s15 =	sld [smem:$0x7F9];
	v1 =	vmul.f32 v1, v0;
	_ =	sdelay $0x1  }
0x195: {  	[tilespmem:s14+$0x0] =	vst v1;
	s14 =	simm.s32 $0x0  }
0x196: {  	[hbm4b:s15+s14] =	stream.linear.scatter [tilespmem:s14], [sflag:$0x3], $0x8000, $0x38;
	[tilespmem:$0x10080] =	vst v63  }
0x197: {  	_ =	swait.ge [sflag:s10], $0x8000  }
0x198: {  	s15 =	sld [smem:$0x7FC]  }
0x199: {  	[sflag:s10] =	ssyncset.done $0x0  }
0x19a: {  	[sflag:s10] =	ssyncadd.s32 $0xFFFF8000  }
0x19b: {  	[tilespmem:s14], [sflag:$0x1] =	stream.linear.gather [hbm4b:s15+s14], $0x8000, $0x38;
	[tilespmem:$0x10080] =	vst v63  }
0x19c: {  	_ =	swait.ge [sflag:s11], $0x8000  }
0x19d: {  	[sflag:s11] =	ssyncset.done $0x0  }
0x19e: {  	s14 =	simm.s32 $0x0;
	s15 =	simm.s32 $0x40;
	[sflag:s11] =	ssyncadd.s32 $0xFFFF8000  }
.LBB2_44:
0x19f: {  	p0 =	sne.s32 s15, $0x1FFC0;
	v1 =	vld [tilespmem:s14+$0x8000];
	_ =	sdelay $0x2  }
.Ltmp21:
0x1a0: {  	(pc) =	sbr.rel @p0 .LBB2_44-.Ltmp21, $3  }
0x1a1: {  	_ = 	snop  }
0x1a2: {  	v1 =	vmul.f32 v1, v0;
	_ =	sdelay $0x1  }
0x1a3: {  	[tilespmem:s14+$0x8000] =	vst v1;
	s14 =	sshra.s32 s15, $0x2;
	s15 =	sadd.s32 $0x40, s15  }
0x1a4: {  	v1 =	vld [tilespmem:s14+$0x8000];
	_ =	sdelay $0x4  }
0x1a5: {  	s15 =	sld [smem:$0x7FB];
	v1 =	vmul.f32 v1, v0;
	_ =	sdelay $0x1  }
0x1a6: {  	[tilespmem:s14+$0x8000] =	vst v1;
	s14 =	simm.s32 $0x0  }
0x1a7: {  	[hbm4b:s15+s14] =	stream.linear.scatter [tilespmem:s8], [sflag:$0x4], $0x8000, $0x38;
	[tilespmem:$0x10080] =	vst v63  }
0x1a8: {  	_ =	swait.ge [sflag:s12], $0x8000  }
0x1a9: {  	[sflag:s12] =	ssyncset.done $0x0  }
0x1aa: {  	[sflag:s12] =	ssyncadd.s32 $0xFFFF8000  }
0x1ab: {  	[tilespmem:s8], [sflag:$0x2] =	stream.linear.gather [hbm4b:s16+s14], $0x8000, $0x38;
	[tilespmem:$0x10080] =	vst v63  }
0x1ac: {  	_ =	swait.ge [sflag:s9], $0x8000  }
0x1ad: {  	[sflag:s9] =	ssyncset.done $0x0  }
0x1ae: {  	s15 =	simm.s32 $0x40;
	s14 =	simm.s32 $0x0;
	[sflag:s9] =	ssyncadd.s32 $0xFFFF8000  }
.LBB2_46:
0x1af: {  	p0 =	sne.s32 s15, $0x1FFC0;
	v1 =	vld [tilespmem:s14+$0x0];
	_ =	sdelay $0x2  }
.Ltmp22:
0x1b0: {  	(pc) =	sbr.rel @p0 .LBB2_46-.Ltmp22, $3  }
0x1b1: {  	_ = 	snop  }
0x1b2: {  	v1 =	vmul.f32 v1, v0;
	_ =	sdelay $0x1  }
0x1b3: {  	[tilespmem:s14+$0x0] =	vst v1;
	s14 =	sshra.s32 s15, $0x2;
	s15 =	sadd.s32 $0x40, s15  }
0x1b4: {  	v1 =	vld [tilespmem:s14+$0x0];
	_ =	sdelay $0x4  }
0x1b5: {  	s15 =	sld [smem:$0x7FD];
	v1 =	vmul.f32 v1, v0;
	_ =	sdelay $0x1  }
0x1b6: {  	[tilespmem:s14+$0x0] =	vst v1;
	s14 =	simm.s32 $0x0  }
0x1b7: {  	[hbm4b:s15+s14] =	stream.linear.scatter [tilespmem:s14], [sflag:$0x3], $0x8000, $0x38;
	[tilespmem:$0x10080] =	vst v63  }
0x1b8: {  	_ =	swait.ge [sflag:s10], $0x8000  }
0x1b9: {  	[sflag:s10] =	ssyncset.done $0x0  }
0x1ba: {  	[sflag:s10] =	ssyncadd.s32 $0xFFFF8000  }
0x1bb: {  	[tilespmem:s14], [sflag:$0x1] =	stream.linear.gather [hbm4b:s18+s14], $0x8000, $0x38;
	[tilespmem:$0x10080] =	vst v63  }
0x1bc: {  	_ =	swait.ge [sflag:s11], $0x8000  }
0x1bd: {  	[sflag:s11] =	ssyncset.done $0x0  }
0x1be: {  	s15 =	simm.s32 $0x40;
	s14 =	simm.s32 $0x0;
	[sflag:s11] =	ssyncadd.s32 $0xFFFF8000  }
.LBB2_48:
0x1bf: {  	p0 =	sne.s32 s15, $0x1FFC0;
	v1 =	vld [tilespmem:s14+$0x8000];
	_ =	sdelay $0x2  }
.Ltmp23:
0x1c0: {  	(pc) =	sbr.rel @p0 .LBB2_48-.Ltmp23, $3  }
0x1c1: {  	_ = 	snop  }
0x1c2: {  	v1 =	vmul.f32 v1, v0;
	_ =	sdelay $0x1  }
0x1c3: {  	[tilespmem:s14+$0x8000] =	vst v1;
	s14 =	sshra.s32 s15, $0x2;
	s15 =	sadd.s32 $0x40, s15  }
0x1c4: {  	v1 =	vld [tilespmem:s14+$0x8000];
	_ =	sdelay $0x4  }
0x1c5: {  	v1 =	vmul.f32 v1, v0;
	_ =	sdelay $0x1  }
0x1c6: {  	s15 =	simm.s32 $0x0;
	[tilespmem:s14+$0x8000] =	vst v1  }
0x1c7: {  	[hbm4b:s17+s15] =	stream.linear.scatter [tilespmem:s8], [sflag:$0x4], $0x8000, $0x38;
	[tilespmem:$0x10080] =	vst v63  }
0x1c8: {  	_ =	swait.ge [sflag:s12], $0x8000  }
0x1c9: {  	[sflag:s12] =	ssyncset.done $0x0  }
0x1ca: {  	[sflag:s12] =	ssyncadd.s32 $0xFFFF8000  }
0x1cb: {  	[tilespmem:s8], [sflag:$0x2] =	stream.linear.gather [hbm4b:s20+s15], $0x8000, $0x38;
	[tilespmem:$0x10080] =	vst v63  }
0x1cc: {  	_ =	swait.ge [sflag:s9], $0x8000  }
0x1cd: {  	[sflag:s9] =	ssyncset.done $0x0  }
0x1ce: {  	s14 =	simm.s32 $0x0;
	s15 =	simm.s32 $0x40;
	[sflag:s9] =	ssyncadd.s32 $0xFFFF8000  }
.LBB2_50:
0x1cf: {  	p0 =	sne.s32 s15, $0x1FFC0;
	v1 =	vld [tilespmem:s14+$0x0];
	_ =	sdelay $0x2  }
.Ltmp24:
0x1d0: {  	(pc) =	sbr.rel @p0 .LBB2_50-.Ltmp24, $3  }
0x1d1: {  	_ = 	snop  }
0x1d2: {  	v1 =	vmul.f32 v1, v0;
	_ =	sdelay $0x1  }
0x1d3: {  	[tilespmem:s14+$0x0] =	vst v1;
	s14 =	sshra.s32 s15, $0x2;
	s15 =	sadd.s32 $0x40, s15  }
0x1d4: {  	v1 =	vld [tilespmem:s14+$0x0];
	_ =	sdelay $0x4  }
0x1d5: {  	v1 =	vmul.f32 v1, v0;
	_ =	sdelay $0x1  }
0x1d6: {  	s15 =	simm.s32 $0x0;
	[tilespmem:s14+$0x0] =	vst v1  }
0x1d7: {  	[hbm4b:s19+s15] =	stream.linear.scatter [tilespmem:s15], [sflag:$0x3], $0x8000, $0x38;
	[tilespmem:$0x10080] =	vst v63  }
0x1d8: {  	_ =	swait.ge [sflag:s10], $0x8000  }
0x1d9: {  	[sflag:s10] =	ssyncset.done $0x0  }
0x1da: {  	[sflag:s10] =	ssyncadd.s32 $0xFFFF8000  }
0x1db: {  	[tilespmem:s15], [sflag:$0x1] =	stream.linear.gather [hbm4b:s22+s15], $0x8000, $0x38;
	[tilespmem:$0x10080] =	vst v63  }
0x1dc: {  	_ =	swait.ge [sflag:s11], $0x8000  }
0x1dd: {  	[sflag:s11] =	ssyncset.done $0x0  }
0x1de: {  	s14 =	simm.s32 $0x0;
	s15 =	simm.s32 $0x40;
	[sflag:s11] =	ssyncadd.s32 $0xFFFF8000  }
.LBB2_52:
0x1df: {  	p0 =	sne.s32 s15, $0x1FFC0;
	v1 =	vld [tilespmem:s14+$0x8000];
	_ =	sdelay $0x2  }
.Ltmp25:
0x1e0: {  	(pc) =	sbr.rel @p0 .LBB2_52-.Ltmp25, $3  }
0x1e1: {  	_ = 	snop  }
0x1e2: {  	v1 =	vmul.f32 v1, v0;
	_ =	sdelay $0x1  }
0x1e3: {  	[tilespmem:s14+$0x8000] =	vst v1;
	s14 =	sshra.s32 s15, $0x2;
	s15 =	sadd.s32 $0x40, s15  }
0x1e4: {  	v1 =	vld [tilespmem:s14+$0x8000];
	_ =	sdelay $0x4  }
0x1e5: {  	v1 =	vmul.f32 v1, v0;
	_ =	sdelay $0x1  }
0x1e6: {  	s15 =	simm.s32 $0x0;
	[tilespmem:s14+$0x8000] =	vst v1  }
0x1e7: {  	[hbm4b:s21+s15] =	stream.linear.scatter [tilespmem:s8], [sflag:$0x4], $0x8000, $0x38;
	[tilespmem:$0x10080] =	vst v63  }
0x1e8: {  	_ =	swait.ge [sflag:s12], $0x8000  }
0x1e9: {  	[sflag:s12] =	ssyncset.done $0x0  }
0x1ea: {  	[sflag:s12] =	ssyncadd.s32 $0xFFFF8000  }
0x1eb: {  	[tilespmem:s8], [sflag:$0x2] =	stream.linear.gather [hbm4b:s24+s15], $0x8000, $0x38;
	[tilespmem:$0x10080] =	vst v63  }
0x1ec: {  	_ =	swait.ge [sflag:s9], $0x8000  }
0x1ed: {  	[sflag:s9] =	ssyncset.done $0x0  }
0x1ee: {  	s14 =	simm.s32 $0x0;
	s15 =	simm.s32 $0x40;
	[sflag:s9] =	ssyncadd.s32 $0xFFFF8000  }
.LBB2_54:
0x1ef: {  	p0 =	sne.s32 s15, $0x1FFC0;
	v1 =	vld [tilespmem:s14+$0x0];
	_ =	sdelay $0x2  }
.Ltmp26:
0x1f0: {  	(pc) =	sbr.rel @p0 .LBB2_54-.Ltmp26, $3  }
0x1f1: {  	_ = 	snop  }
0x1f2: {  	v1 =	vmul.f32 v1, v0;
	_ =	sdelay $0x1  }
0x1f3: {  	[tilespmem:s14+$0x0] =	vst v1;
	s14 =	sshra.s32 s15, $0x2;
	s15 =	sadd.s32 $0x40, s15  }
0x1f4: {  	v1 =	vld [tilespmem:s14+$0x0];
	_ =	sdelay $0x4  }
0x1f5: {  	v1 =	vmul.f32 v1, v0;
	_ =	sdelay $0x1  }
0x1f6: {  	s15 =	simm.s32 $0x0;
	[tilespmem:s14+$0x0] =	vst v1  }
0x1f7: {  	[hbm4b:s23+s15] =	stream.linear.scatter [tilespmem:s15], [sflag:$0x3], $0x8000, $0x38;
	[tilespmem:$0x10080] =	vst v63  }
0x1f8: {  	_ =	swait.ge [sflag:s10], $0x8000  }
0x1f9: {  	[sflag:s10] =	ssyncset.done $0x0  }
0x1fa: {  	[sflag:s10] =	ssyncadd.s32 $0xFFFF8000  }
0x1fb: {  	[tilespmem:s15], [sflag:$0x1] =	stream.linear.gather [hbm4b:s26+s15], $0x8000, $0x38;
	[tilespmem:$0x10080] =	vst v63  }
0x1fc: {  	_ =	swait.ge [sflag:s11], $0x8000  }
0x1fd: {  	[sflag:s11] =	ssyncset.done $0x0  }
0x1fe: {  	s14 =	simm.s32 $0x0;
	s15 =	simm.s32 $0x40;
	[sflag:s11] =	ssyncadd.s32 $0xFFFF8000  }
.LBB2_56:
0x1ff: {  	p0 =	sne.s32 s15, $0x1FFC0;
	v1 =	vld [tilespmem:s14+$0x8000];
	_ =	sdelay $0x2  }
.Ltmp27:
0x200: {  	(pc) =	sbr.rel @p0 .LBB2_56-.Ltmp27, $3  }
0x201: {  	_ = 	snop  }
0x202: {  	v1 =	vmul.f32 v1, v0;
	_ =	sdelay $0x1  }
0x203: {  	[tilespmem:s14+$0x8000] =	vst v1;
	s14 =	sshra.s32 s15, $0x2;
	s15 =	sadd.s32 $0x40, s15  }
0x204: {  	v1 =	vld [tilespmem:s14+$0x8000];
	_ =	sdelay $0x4  }
0x205: {  	v1 =	vmul.f32 v1, v0;
	_ =	sdelay $0x1  }
0x206: {  	s15 =	simm.s32 $0x0;
	[tilespmem:s14+$0x8000] =	vst v1  }
0x207: {  	[hbm4b:s25+s15] =	stream.linear.scatter [tilespmem:s8], [sflag:$0x4], $0x8000, $0x38;
	[tilespmem:$0x10080] =	vst v63  }
0x208: {  	_ =	swait.ge [sflag:s12], $0x8000  }
0x209: {  	[sflag:s12] =	ssyncset.done $0x0  }
0x20a: {  	[sflag:s12] =	ssyncadd.s32 $0xFFFF8000  }
0x20b: {  	[tilespmem:s8], [sflag:$0x2] =	stream.linear.gather [hbm4b:s29+s15], $0x8000, $0x38;
	[tilespmem:$0x10080] =	vst v63  }
0x20c: {  	_ =	swait.ge [sflag:s9], $0x8000  }
0x20d: {  	[sflag:s9] =	ssyncset.done $0x0  }
0x20e: {  	s14 =	simm.s32 $0x0;
	s15 =	simm.s32 $0x40;
	[sflag:s9] =	ssyncadd.s32 $0xFFFF8000  }
.LBB2_58:
0x20f: {  	p0 =	sne.s32 s15, $0x1FFC0;
	v1 =	vld [tilespmem:s14+$0x0];
	_ =	sdelay $0x2  }
.Ltmp28:
0x210: {  	(pc) =	sbr.rel @p0 .LBB2_58-.Ltmp28, $3  }
0x211: {  	_ = 	snop  }
0x212: {  	v1 =	vmul.f32 v1, v0;
	_ =	sdelay $0x1  }
0x213: {  	[tilespmem:s14+$0x0] =	vst v1;
	s14 =	sshra.s32 s15, $0x2;
	s15 =	sadd.s32 $0x40, s15  }
0x214: {  	v1 =	vld [tilespmem:s14+$0x0];
	_ =	sdelay $0x4  }
0x215: {  	v1 =	vmul.f32 v1, v0;
	_ =	sdelay $0x1  }
0x216: {  	s15 =	simm.s32 $0x0;
	[tilespmem:s14+$0x0] =	vst v1  }
0x217: {  	[hbm4b:s28+s15] =	stream.linear.scatter [tilespmem:s15], [sflag:$0x3], $0x8000, $0x38;
	[tilespmem:$0x10080] =	vst v63  }
0x218: {  	_ =	swait.ge [sflag:s10], $0x8000  }
0x219: {  	[sflag:s10] =	ssyncset.done $0x0  }
0x21a: {  	[sflag:s10] =	ssyncadd.s32 $0xFFFF8000  }
0x21b: {  	[tilespmem:s15], [sflag:$0x1] =	stream.linear.gather [hbm4b:s2+s15], $0x8000, $0x38;
	[tilespmem:$0x10080] =	vst v63  }
0x21c: {  	_ =	swait.ge [sflag:s11], $0x8000  }
0x21d: {  	[sflag:s11] =	ssyncset.done $0x0  }
0x21e: {  	s14 =	simm.s32 $0x0;
	s15 =	simm.s32 $0x40;
	[sflag:s11] =	ssyncadd.s32 $0xFFFF8000  }
.LBB2_60:
0x21f: {  	p0 =	sne.s32 s15, $0x1FFC0;
	v1 =	vld [tilespmem:s14+$0x8000];
	_ =	sdelay $0x2  }
.Ltmp29:
0x220: {  	(pc) =	sbr.rel @p0 .LBB2_60-.Ltmp29, $3  }
0x221: {  	_ = 	snop  }
0x222: {  	v1 =	vmul.f32 v1, v0;
	_ =	sdelay $0x1  }
0x223: {  	[tilespmem:s14+$0x8000] =	vst v1;
	s14 =	sshra.s32 s15, $0x2;
	s15 =	sadd.s32 $0x40, s15  }
0x224: {  	v1 =	vld [tilespmem:s14+$0x8000];
	_ =	sdelay $0x4  }
0x225: {  	v1 =	vmul.f32 v1, v0;
	_ =	sdelay $0x1  }
0x226: {  	s15 =	simm.s32 $0x0;
	[tilespmem:s14+$0x8000] =	vst v1  }
0x227: {  	[hbm4b:s30+s15] =	stream.linear.scatter [tilespmem:s8], [sflag:$0x4], $0x8000, $0x38;
	[tilespmem:$0x10080] =	vst v63  }
0x228: {  	_ =	swait.ge [sflag:s12], $0x8000  }
0x229: {  	[sflag:s12] =	ssyncset.done $0x0  }
0x22a: {  	[sflag:s12] =	ssyncadd.s32 $0xFFFF8000  }
0x22b: {  	[tilespmem:s8], [sflag:$0x2] =	stream.linear.gather [hbm4b:s3+s15], $0x8000, $0x38;
	[tilespmem:$0x10080] =	vst v63  }
0x22c: {  	_ =	swait.ge [sflag:s9], $0x8000  }
0x22d: {  	[sflag:s9] =	ssyncset.done $0x0  }
0x22e: {  	s14 =	simm.s32 $0x0;
	s15 =	simm.s32 $0x40;
	[sflag:s9] =	ssyncadd.s32 $0xFFFF8000  }
.LBB2_62:
0x22f: {  	p0 =	sne.s32 s15, $0x1FFC0;
	v1 =	vld [tilespmem:s14+$0x0];
	_ =	sdelay $0x2  }
.Ltmp30:
0x230: {  	(pc) =	sbr.rel @p0 .LBB2_62-.Ltmp30, $3  }
0x231: {  	_ = 	snop  }
0x232: {  	v1 =	vmul.f32 v1, v0;
	_ =	sdelay $0x1  }
0x233: {  	[tilespmem:s14+$0x0] =	vst v1;
	s14 =	sshra.s32 s15, $0x2;
	s15 =	sadd.s32 $0x40, s15  }
0x234: {  	v1 =	vld [tilespmem:s14+$0x0];
	_ =	sdelay $0x4  }
0x235: {  	v1 =	vmul.f32 v1, v0;
	_ =	sdelay $0x1  }
0x236: {  	s15 =	simm.s32 $0x0;
	[tilespmem:s14+$0x0] =	vst v1  }
0x237: {  	[hbm4b:s4+s15] =	stream.linear.scatter [tilespmem:s15], [sflag:$0x3], $0x8000, $0x38;
	[tilespmem:$0x10080] =	vst v63  }
0x238: {  	_ =	swait.ge [sflag:s11], $0x8000  }
0x239: {  	[sflag:s11] =	ssyncset.done $0x0  }
0x23a: {  	s14 =	simm.s32 $0x0;
	s15 =	simm.s32 $0x40;
	[sflag:s11] =	ssyncadd.s32 $0xFFFF8000  }
.LBB2_64:
0x23b: {  	p0 =	sne.s32 s15, $0x1FFC0;
	v1 =	vld [tilespmem:s14+$0x8000];
	_ =	sdelay $0x2  }
.Ltmp31:
0x23c: {  	(pc) =	sbr.rel @p0 .LBB2_64-.Ltmp31, $3  }
0x23d: {  	_ = 	snop  }
0x23e: {  	v1 =	vmul.f32 v1, v0;
	_ =	sdelay $0x1  }
0x23f: {  	[tilespmem:s14+$0x8000] =	vst v1;
	s14 =	sshra.s32 s15, $0x2;
	s15 =	sadd.s32 $0x40, s15  }
0x240: {  	v1 =	vld [tilespmem:s14+$0x8000];
	_ =	sdelay $0x4  }
0x241: {  	v0 =	vmul.f32 v1, v0;
	_ =	sdelay $0x1  }
0x242: {  	s13 =	sadd.s32 $0x1, s13;
	[tilespmem:s14+$0x8000] =	vst v0  }
0x243: {  	[hbm4b:s5+s1] =	stream.linear.scatter [tilespmem:s8], [sflag:$0x4], $0x8000, $0x38;
	[tilespmem:$0x10080] =	vst v63  }
0x244: {  	p0 =	sne.s32 s13, s6;
	_ =	swait.ge [sflag:s10], $0x8000  }
.Ltmp32:
0x245: {  	[sflag:s10] =	ssyncset.done $0x0;
	(pc) =	sbr.rel @p0 .LBB2_1-.Ltmp32, $4  }
0x246: {  	[sflag:s10] =	ssyncadd.s32 $0xFFFF8000  }
0x247: {  	_ =	swait.ge [sflag:s12], $0x8000  }
0x248: {  	[sflag:s12] =	ssyncset.done $0x0  }
0x249: {  	[sflag:s12] =	ssyncadd.s32 $0xFFFF8000  }
0x24a: {  	_ =	sfence.sel $0x180000  }
0x24b: {  	[bflag:$0x0] =	sbarrier.arrive $0xFFFF  }
0x24c: {  	_ =	strace $0x90000047  }
0x24d: {  	s0 =	stileid.u32;
	[bflag:$0x2] =	sbarrier.arrive $0xFFFF  }
0x24e: {  	p0 =	sne.s32 s0, $0x0;
	s0 =	rddreg [dreg:$0x3]  }
0x24f: {  	s0 =	sadd.s32 @!p0 $0x100000, s0  }
0x250: {  	[sflag:s0] =	ssyncadd.tile.s32 @!p0 $0x1;
	_ =	shalt  }
.Lfunc_end2:
_tile_overlayer_lowered:
.L_overlay_start_2:
0x251: {  	(tag) =	ssettag $0x2  }
0x252: {  	s0 =	rddreg [dreg:$0x0];
	s2 =	stileid.u32  }
0x253: {  	s1 =	rddreg [dreg:$0x1];
	p0 =	sne.s32 s2, $0x0  }
0x254: {  	s3 =	rddreg [dreg:$0x2];
	[bflag:$0x3] =	sbarrier.arrive $0xFFFF;
	s2 =	simm.s32 @!p0 $0x1C05  }
0x255: {  	[timem:s3], [sflag:s2] =	dma.local @!p0 [hbm:s0], s1  }
0x256: {  	s0 =	simm.s32 @!p0 $0x5  }
0x257: {  	_ =	swait.ge @!p0 [sflag:s0], s1  }
0x258: {  	s1 =	ssub.s32 @!p0 $0x0, s1;
	[sflag:s0] =	ssyncset.done @!p0 $0x0  }
0x259: {  	[sflag:s0] =	ssyncadd.s32 @!p0 s1  }
0x25a: {  	[bflag:$0x3] =	sbarrier.arrive $0xFFFF  }
0x25b: {  	_ =	shalt  }

</sc_bundles>
